<compile_context>
chip_gen: v7x
topology: tpu7x:2x2x1
jax: 0.10.2.dev20260603
libtpu: 0.0.44.dev20260713+nightly
codegen_flags: <defaults>
</compile_context>

<pallas_src>
import functools
import jax
import jax.numpy as jnp
from jax import lax
from jax.experimental import pallas as pl
from jax.experimental.pallas import tpu as pltpu
from jax.experimental.pallas import tpu_sc as plsc

_NUM_BITS = 6
_NW = 32
_R = 64


def _make_sc_call(b, c):
    n = c * _NUM_BITS
    rows_per_w = b // _NW
    n_chunks = rows_per_w // _R
    n_vecs = (c + 15) // 16
    mesh = plsc.VectorSubcoreMesh(core_axis_name="c", subcore_axis_name="s")

    @functools.partial(
        pl.kernel,
        mesh=mesh,
        out_type=jax.ShapeDtypeStruct((b, n), jnp.float32),
        scratch_types=[
            pltpu.VMEM((_R * c + 16,), jnp.int32),
            pltpu.VMEM((_R, n), jnp.float32),
        ],
        compiler_params=pltpu.CompilerParams(needs_layout_passes=False),
    )
    def sc_demap(in_hbm, out_hbm, x_v, y_v):
        wid = lax.axis_index("s") * 2 + lax.axis_index("c")
        row0 = wid * rows_per_w
        lane = lax.broadcasted_iota(jnp.int32, (16,), 0)
        lane6 = lane * _NUM_BITS
        tail = c - 16 * (n_vecs - 1)
        tail_mask = lane < tail

        def chunk_body(ch, _):
            r_g = row0 + ch * _R
            pltpu.sync_copy(in_hbm.at[pl.ds(r_g * c, _R * c)], x_v.at[pl.ds(0, _R * c)])

            def row_body(r, _):
                rvec = lane * 0 + r
                xb = r * c
                for v in range(n_vecs):
                    x = x_v[pl.ds(xb + 16 * v, 16)]
                    full = v < n_vecs - 1
                    for j in range(_NUM_BITS):
                        bits = lax.shift_right_logical(x, _NUM_BITS - 1 - j) & 1
                        kv = lane6 + (96 * v + j)
                        if full:
                            plsc.store_scatter(
                                y_v, [rvec, kv], bits.astype(jnp.float32))
                        else:
                            plsc.store_scatter(
                                y_v, [rvec, kv], bits.astype(jnp.float32),
                                mask=tail_mask)
                return 0

            lax.fori_loop(0, _R, row_body, 0)
            pltpu.sync_copy(y_v, out_hbm.at[pl.ds(r_g, _R)])
            return 0

        lax.fori_loop(0, n_chunks, chunk_body, 0)

    return sc_demap


def kernel(inputs, demap_table):
    del demap_table
    b, c = inputs.shape
    return _make_sc_call(b, c)(inputs.reshape(-1))

# --- scband reference (transcript-rebuilt; emitter-appended) ---
"""Pipeline reference for scband-ccskdemapper-39960375722132 (READ-ONLY COPY).

The authoritative reference and input builder live on the scoring server;
editing this copy changes nothing except your own understanding.
"""

import jax, jax.numpy as jnp
import numpy as np

NUM_BITS = 6
BATCH = 16384
NUM_CCSK = 200


def _build_demapping_array(num_bits):
    # binary_shift = [num_bits-1, ..., 0]
    binary_shift = jnp.arange(num_bits - 1, -1, -1, dtype=jnp.int32)
    int_base = jnp.repeat(jnp.arange(2 ** num_bits, dtype=jnp.int32)[:, None], num_bits, axis=1)
    demap = jnp.right_shift(jnp.bitwise_and(int_base, 2 ** binary_shift), binary_shift)
    return demap  # [2**num_bits, num_bits], int32 in {0,1}


def setup_inputs(seed: int = 0) -> dict:
    key = jax.random.key(seed)
    inputs = jax.random.randint(key, (BATCH, NUM_CCSK), 0, 2 ** NUM_BITS, dtype=jnp.int32)
    # Precomputed demapping table (constant buffer built in __init__); stored as
    # float32 so the gather+cast is a single float gather, same math as the original.
    demap_table = _build_demapping_array(NUM_BITS).astype(jnp.float32)
    return {"inputs": inputs, "demap_table": demap_table}


def reference(inputs, demap_table):
    # x = gather(demapping_array, inputs, axis=0): [B, num_ccsk, num_bits]
    x = jnp.take(demap_table, inputs, axis=0)
    # flatten_last_dims(x, num_dims=2) -> [B, num_ccsk * num_bits], cast float32
    b = x.shape[0]
    x = x.reshape(b, -1).astype(jnp.float32)
    return x

if __name__ == "__main__":
    import jax
    _d = setup_inputs()
    print(jax.jit(kernel)(*tuple(_d.values())))

</pallas_src>

<mosaic_0001>
#map = affine_map<(d0, d1) -> (0)>
#map1 = affine_map<(d0, d1) -> (0, 0)>
module attributes {stable_mosaic.version = 14 : i64} {
  func.func @sc_demap(%arg0: i32, %arg1: i32, %arg2: memref<3276800xi32, #tpu.memory_space<hbm>>, %arg3: memref<16384x1200xf32, #tpu.memory_space<hbm>>, %arg4: memref<12816xi32, #tpu.memory_space<vmem>>, %arg5: memref<64x1200xf32, #tpu.memory_space<vmem>>) attributes {dimension_semantics = [#tpu.dimension_semantics<core_parallel>, #tpu.dimension_semantics<subcore_parallel>], iteration_bounds = array<i64: 2, 16>, scalar_prefetch = 0 : i64, scratch_operands = 2 : i64, tpu.core_type = #tpu.core_type<sc_vector_subcore>, window_params = [{transform_indices = #map}, {transform_indices = #map1}]} {
    %mul3A = arith.constant 2 : i32
    %mul3A_0 = arith.muli %arg1, %mul3A : i32
    %add3A = arith.addi %mul3A_0, %arg0 : i32
    %mul3A_1 = arith.constant 512 : i32
    %mul3A_2 = arith.muli %add3A, %mul3A_1 : i32
    %iota3A = tpu.iota {dimensions = array<i32: 0>} : vector<16xi32>
    %mul3A_3 = arith.constant 6 : i32
    %mul3A_4 = vector.broadcast %mul3A_3 : i32 to vector<16xi32>
    %mul3A_5 = arith.muli %iota3A, %mul3A_4 : vector<16xi32>
    %lt3A = arith.constant 8 : i32
    %lt3A_6 = vector.broadcast %lt3A : i32 to vector<16xi32>
    %lt3A_7 = arith.cmpi slt, %iota3A, %lt3A_6 : vector<16xi32>
    %scan3A = arith.constant 0 : i32
    %scan3A_8 = arith.constant 0 : i32
    %scan3A_9 = arith.constant 8 : i32
    %scan3A_10 = arith.addi %scan3A_8, %scan3A_9 : i32
    %scan3A_11 = arith.constant 1 : i32
    %scan3A_12 = scf.for %scan3A_14 = %scan3A_8 to %scan3A_10 step %scan3A_11 iter_args(%scan3A_15 = %scan3A) -> (i32)  : i32 {
      %mul3A_16 = arith.constant 64 : i32
      %mul3A_17 = arith.muli %scan3A_14, %mul3A_16 : i32
      %add3A_18 = arith.addi %mul3A_2, %mul3A_17 : i32
      %mul3A_19 = arith.constant 200 : i32
      %mul3A_20 = arith.muli %add3A_18, %mul3A_19 : i32
      "tpu.region"() ({
        %run_scoped3A = tpu.sem_alloc : memref<!tpu.dma_semaphore, #tpu.memory_space<semaphore_mem>>
        %dma_start3A = arith.constant 0 : i32
        %dma_start3A_29 = tpu.memref_slice %arg4[%dma_start3A] : memref<12816xi32, #tpu.memory_space<vmem>> -> memref<12800xi32, #tpu.memory_space<vmem>>
        %dma_start3A_30 = tpu.memref_slice %arg2[%mul3A_20] : memref<3276800xi32, #tpu.memory_space<hbm>> -> memref<12800xi32, #tpu.memory_space<hbm>>
        %dma_start3A_31 = arith.constant 0 : i32
        %dma_start3A_32 = tpu.memref_slice %arg4[%dma_start3A_31] : memref<12816xi32, #tpu.memory_space<vmem>> -> memref<12800xi32, #tpu.memory_space<vmem>>
        %dma_start3A_33 = tpu.memref_slice %arg2[%mul3A_20] : memref<3276800xi32, #tpu.memory_space<hbm>> -> memref<12800xi32, #tpu.memory_space<hbm>>
        tpu.enqueue_dma source(%dma_start3A_33 : memref<12800xi32, #tpu.memory_space<hbm>>) target(%dma_start3A_32 : memref<12800xi32, #tpu.memory_space<vmem>>) target_semaphore(%run_scoped3A : memref<!tpu.dma_semaphore, #tpu.memory_space<semaphore_mem>>)
        %dma_wait3A = arith.constant 0 : i32
        %dma_wait3A_34 = tpu.memref_slice %arg4[%dma_wait3A] : memref<12816xi32, #tpu.memory_space<vmem>> -> memref<12800xi32, #tpu.memory_space<vmem>>
        %dma_wait3A_35 = tpu.memref_slice %arg2[%mul3A_20] : memref<3276800xi32, #tpu.memory_space<hbm>> -> memref<12800xi32, #tpu.memory_space<hbm>>
        %dma_wait3A_36 = arith.constant 0 : i32
        %dma_wait3A_37 = tpu.memref_slice %arg4[%dma_wait3A_36] : memref<12816xi32, #tpu.memory_space<vmem>> -> memref<12800xi32, #tpu.memory_space<vmem>>
        %dma_wait3A_38 = tpu.memref_slice %arg2[%mul3A_20] : memref<3276800xi32, #tpu.memory_space<hbm>> -> memref<12800xi32, #tpu.memory_space<hbm>>
        tpu.wait_dma2 semaphore(%run_scoped3A : memref<!tpu.dma_semaphore, #tpu.memory_space<semaphore_mem>>) src(%dma_wait3A_38 : memref<12800xi32, #tpu.memory_space<hbm>>) dst(%dma_wait3A_37 : memref<12800xi32, #tpu.memory_space<vmem>>)
        tpu.yield
      }) : () -> ()
      %scan3A_21 = arith.constant 0 : i32
      %scan3A_22 = arith.constant 0 : i32
      %scan3A_23 = arith.constant 64 : i32
      %scan3A_24 = arith.addi %scan3A_22, %scan3A_23 : i32
      %scan3A_25 = arith.constant 1 : i32
      %scan3A_26 = scf.for %scan3A_29 = %scan3A_22 to %scan3A_24 step %scan3A_25 iter_args(%scan3A_30 = %scan3A_21) -> (i32)  : i32 {
        %mul3A_31 = arith.constant 0 : i32
        %mul3A_32 = vector.broadcast %mul3A_31 : i32 to vector<16xi32>
        %mul3A_33 = arith.muli %iota3A, %mul3A_32 : vector<16xi32>
        %add3A_34 = vector.broadcast %scan3A_29 : i32 to vector<16xi32>
        %add3A_35 = arith.addi %mul3A_33, %add3A_34 : vector<16xi32>
        %mul3A_36 = arith.constant 200 : i32
        %mul3A_37 = arith.muli %scan3A_29, %mul3A_36 : i32
        %add3A_38 = arith.constant 0 : i32
        %add3A_39 = arith.addi %mul3A_37, %add3A_38 : i32
        %get3A = arith.index_cast %add3A_39 : i32 to index
        %get3A_40 = tpu.vector_load %arg4[%get3A] {strides = array<i32>} : memref<12816xi32, #tpu.memory_space<vmem>>, vector<16xi32>,
        %shift_right_logical3A = arith.constant 5 : i32
        %shift_right_logical3A_41 = vector.broadcast %shift_right_logical3A : i32 to vector<16xi32>
        %shift_right_logical3A_42 = arith.shrui %get3A_40, %shift_right_logical3A_41 : vector<16xi32>
        %and3A = arith.constant 1 : i32
        %and3A_43 = vector.broadcast %and3A : i32 to vector<16xi32>
        %and3A_44 = arith.andi %shift_right_logical3A_42, %and3A_43 : vector<16xi32>
        %add3A_45 = arith.constant 0 : i32
        %add3A_46 = vector.broadcast %add3A_45 : i32 to vector<16xi32>
        %add3A_47 = arith.addi %mul3A_5, %add3A_46 : vector<16xi32>
        %convert_element_type3A = arith.sitofp %and3A_44 : vector<16xi32> to vector<16xf32>
        tpu.vector_store_idx %arg5[%add3A_35, %add3A_47], %convert_element_type3A : memref<64x1200xf32, #tpu.memory_space<vmem>>[vector<16xi32>, vector<16xi32>], vector<16xf32>,
        %shift_right_logical3A_48 = arith.constant 4 : i32
        %shift_right_logical3A_49 = vector.broadcast %shift_right_logical3A_48 : i32 to vector<16xi32>
        %shift_right_logical3A_50 = arith.shrui %get3A_40, %shift_right_logical3A_49 : vector<16xi32>
        %and3A_51 = arith.constant 1 : i32
        %and3A_52 = vector.broadcast %and3A_51 : i32 to vector<16xi32>
        %and3A_53 = arith.andi %shift_right_logical3A_50, %and3A_52 : vector<16xi32>
        %add3A_54 = arith.constant 1 : i32
        %add3A_55 = vector.broadcast %add3A_54 : i32 to vector<16xi32>
        %add3A_56 = arith.addi %mul3A_5, %add3A_55 : vector<16xi32>
        %convert_element_type3A_57 = arith.sitofp %and3A_53 : vector<16xi32> to vector<16xf32>
        tpu.vector_store_idx %arg5[%add3A_35, %add3A_56], %convert_element_type3A_57 : memref<64x1200xf32, #tpu.memory_space<vmem>>[vector<16xi32>, vector<16xi32>], vector<16xf32>,
        %shift_right_logical3A_58 = arith.constant 3 : i32
        %shift_right_logical3A_59 = vector.broadcast %shift_right_logical3A_58 : i32 to vector<16xi32>
        %shift_right_logical3A_60 = arith.shrui %get3A_40, %shift_right_logical3A_59 : vector<16xi32>
        %and3A_61 = arith.constant 1 : i32
        %and3A_62 = vector.broadcast %and3A_61 : i32 to vector<16xi32>
        %and3A_63 = arith.andi %shift_right_logical3A_60, %and3A_62 : vector<16xi32>
        %add3A_64 = arith.constant 2 : i32
        %add3A_65 = vector.broadcast %add3A_64 : i32 to vector<16xi32>
        %add3A_66 = arith.addi %mul3A_5, %add3A_65 : vector<16xi32>
        %convert_element_type3A_67 = arith.sitofp %and3A_63 : vector<16xi32> to vector<16xf32>
        tpu.vector_store_idx %arg5[%add3A_35, %add3A_66], %convert_element_type3A_67 : memref<64x1200xf32, #tpu.memory_space<vmem>>[vector<16xi32>, vector<16xi32>], vector<16xf32>,
        %shift_right_logical3A_68 = arith.constant 2 : i32
        %shift_right_logical3A_69 = vector.broadcast %shift_right_logical3A_68 : i32 to vector<16xi32>
        %shift_right_logical3A_70 = arith.shrui %get3A_40, %shift_right_logical3A_69 : vector<16xi32>
        %and3A_71 = arith.constant 1 : i32
        %and3A_72 = vector.broadcast %and3A_71 : i32 to vector<16xi32>
        %and3A_73 = arith.andi %shift_right_logical3A_70, %and3A_72 : vector<16xi32>
        %add3A_74 = arith.constant 3 : i32
        %add3A_75 = vector.broadcast %add3A_74 : i32 to vector<16xi32>
        %add3A_76 = arith.addi %mul3A_5, %add3A_75 : vector<16xi32>
        %convert_element_type3A_77 = arith.sitofp %and3A_73 : vector<16xi32> to vector<16xf32>
        tpu.vector_store_idx %arg5[%add3A_35, %add3A_76], %convert_element_type3A_77 : memref<64x1200xf32, #tpu.memory_space<vmem>>[vector<16xi32>, vector<16xi32>], vector<16xf32>,
        %shift_right_logical3A_78 = arith.constant 1 : i32
        %shift_right_logical3A_79 = vector.broadcast %shift_right_logical3A_78 : i32 to vector<16xi32>
        %shift_right_logical3A_80 = arith.shrui %get3A_40, %shift_right_logical3A_79 : vector<16xi32>
        %and3A_81 = arith.constant 1 : i32
        %and3A_82 = vector.broadcast %and3A_81 : i32 to vector<16xi32>
        %and3A_83 = arith.andi %shift_right_logical3A_80, %and3A_82 : vector<16xi32>
        %add3A_84 = arith.constant 4 : i32
        %add3A_85 = vector.broadcast %add3A_84 : i32 to vector<16xi32>
        %add3A_86 = arith.addi %mul3A_5, %add3A_85 : vector<16xi32>
        %convert_element_type3A_87 = arith.sitofp %and3A_83 : vector<16xi32> to vector<16xf32>
        tpu.vector_store_idx %arg5[%add3A_35, %add3A_86], %convert_element_type3A_87 : memref<64x1200xf32, #tpu.memory_space<vmem>>[vector<16xi32>, vector<16xi32>], vector<16xf32>,
        %shift_right_logical3A_88 = arith.constant 0 : i32
        %shift_right_logical3A_89 = vector.broadcast %shift_right_logical3A_88 : i32 to vector<16xi32>
        %shift_right_logical3A_90 = arith.shrui %get3A_40, %shift_right_logical3A_89 : vector<16xi32>
        %and3A_91 = arith.constant 1 : i32
        %and3A_92 = vector.broadcast %and3A_91 : i32 to vector<16xi32>
        %and3A_93 = arith.andi %shift_right_logical3A_90, %and3A_92 : vector<16xi32>
        %add3A_94 = arith.constant 5 : i32
        %add3A_95 = vector.broadcast %add3A_94 : i32 to vector<16xi32>
        %add3A_96 = arith.addi %mul3A_5, %add3A_95 : vector<16xi32>
        %convert_element_type3A_97 = arith.sitofp %and3A_93 : vector<16xi32> to vector<16xf32>
        tpu.vector_store_idx %arg5[%add3A_35, %add3A_96], %convert_element_type3A_97 : memref<64x1200xf32, #tpu.memory_space<vmem>>[vector<16xi32>, vector<16xi32>], vector<16xf32>,
        %add3A_98 = arith.constant 16 : i32
        %add3A_99 = arith.addi %mul3A_37, %add3A_98 : i32
        %get3A_100 = arith.index_cast %add3A_99 : i32 to index
        %get3A_101 = tpu.vector_load %arg4[%get3A_100] {strides = array<i32>} : memref<12816xi32, #tpu.memory_space<vmem>>, vector<16xi32>,
        %shift_right_logical3A_102 = arith.constant 5 : i32
        %shift_right_logical3A_103 = vector.broadcast %shift_right_logical3A_102 : i32 to vector<16xi32>
        %shift_right_logical3A_104 = arith.shrui %get3A_101, %shift_right_logical3A_103 : vector<16xi32>
        %and3A_105 = arith.constant 1 : i32
        %and3A_106 = vector.broadcast %and3A_105 : i32 to vector<16xi32>
        %and3A_107 = arith.andi %shift_right_logical3A_104, %and3A_106 : vector<16xi32>
        %add3A_108 = arith.constant 96 : i32
        %add3A_109 = vector.broadcast %add3A_108 : i32 to vector<16xi32>
        %add3A_110 = arith.addi %mul3A_5, %add3A_109 : vector<16xi32>
        %convert_element_type3A_111 = arith.sitofp %and3A_107 : vector<16xi32> to vector<16xf32>
        tpu.vector_store_idx %arg5[%add3A_35, %add3A_110], %convert_element_type3A_111 : memref<64x1200xf32, #tpu.memory_space<vmem>>[vector<16xi32>, vector<16xi32>], vector<16xf32>,
        %shift_right_logical3A_112 = arith.constant 4 : i32
        %shift_right_logical3A_113 = vector.broadcast %shift_right_logical3A_112 : i32 to vector<16xi32>
        %shift_right_logical3A_114 = arith.shrui %get3A_101, %shift_right_logical3A_113 : vector<16xi32>
        %and3A_115 = arith.constant 1 : i32
        %and3A_116 = vector.broadcast %and3A_115 : i32 to vector<16xi32>
        %and3A_117 = arith.andi %shift_right_logical3A_114, %and3A_116 : vector<16xi32>
        %add3A_118 = arith.constant 97 : i32
        %add3A_119 = vector.broadcast %add3A_118 : i32 to vector<16xi32>
        %add3A_120 = arith.addi %mul3A_5, %add3A_119 : vector<16xi32>
        %convert_element_type3A_121 = arith.sitofp %and3A_117 : vector<16xi32> to vector<16xf32>
        tpu.vector_store_idx %arg5[%add3A_35, %add3A_120], %convert_element_type3A_121 : memref<64x1200xf32, #tpu.memory_space<vmem>>[vector<16xi32>, vector<16xi32>], vector<16xf32>,
        %shift_right_logical3A_122 = arith.constant 3 : i32
        %shift_right_logical3A_123 = vector.broadcast %shift_right_logical3A_122 : i32 to vector<16xi32>
        %shift_right_logical3A_124 = arith.shrui %get3A_101, %shift_right_logical3A_123 : vector<16xi32>
        %and3A_125 = arith.constant 1 : i32
        %and3A_126 = vector.broadcast %and3A_125 : i32 to vector<16xi32>
        %and3A_127 = arith.andi %shift_right_logical3A_124, %and3A_126 : vector<16xi32>
        %add3A_128 = arith.constant 98 : i32
        %add3A_129 = vector.broadcast %add3A_128 : i32 to vector<16xi32>
        %add3A_130 = arith.addi %mul3A_5, %add3A_129 : vector<16xi32>
        %convert_element_type3A_131 = arith.sitofp %and3A_127 : vector<16xi32> to vector<16xf32>
        tpu.vector_store_idx %arg5[%add3A_35, %add3A_130], %convert_element_type3A_131 : memref<64x1200xf32, #tpu.memory_space<vmem>>[vector<16xi32>, vector<16xi32>], vector<16xf32>,
        %shift_right_logical3A_132 = arith.constant 2 : i32
        %shift_right_logical3A_133 = vector.broadcast %shift_right_logical3A_132 : i32 to vector<16xi32>
        %shift_right_logical3A_134 = arith.shrui %get3A_101, %shift_right_logical3A_133 : vector<16xi32>
        %and3A_135 = arith.constant 1 : i32
        %and3A_136 = vector.broadcast %and3A_135 : i32 to vector<16xi32>
        %and3A_137 = arith.andi %shift_right_logical3A_134, %and3A_136 : vector<16xi32>
        %add3A_138 = arith.constant 99 : i32
        %add3A_139 = vector.broadcast %add3A_138 : i32 to vector<16xi32>
        %add3A_140 = arith.addi %mul3A_5, %add3A_139 : vector<16xi32>
        %convert_element_type3A_141 = arith.sitofp %and3A_137 : vector<16xi32> to vector<16xf32>
        tpu.vector_store_idx %arg5[%add3A_35, %add3A_140], %convert_element_type3A_141 : memref<64x1200xf32, #tpu.memory_space<vmem>>[vector<16xi32>, vector<16xi32>], vector<16xf32>,
        %shift_right_logical3A_142 = arith.constant 1 : i32
        %shift_right_logical3A_143 = vector.broadcast %shift_right_logical3A_142 : i32 to vector<16xi32>
        %shift_right_logical3A_144 = arith.shrui %get3A_101, %shift_right_logical3A_143 : vector<16xi32>
        %and3A_145 = arith.constant 1 : i32
        %and3A_146 = vector.broadcast %and3A_145 : i32 to vector<16xi32>
        %and3A_147 = arith.andi %shift_right_logical3A_144, %and3A_146 : vector<16xi32>
        %add3A_148 = arith.constant 100 : i32
        %add3A_149 = vector.broadcast %add3A_148 : i32 to vector<16xi32>
        %add3A_150 = arith.addi %mul3A_5, %add3A_149 : vector<16xi32>
        %convert_element_type3A_151 = arith.sitofp %and3A_147 : vector<16xi32> to vector<16xf32>
        tpu.vector_store_idx %arg5[%add3A_35, %add3A_150], %convert_element_type3A_151 : memref<64x1200xf32, #tpu.memory_space<vmem>>[vector<16xi32>, vector<16xi32>], vector<16xf32>,
        %shift_right_logical3A_152 = arith.constant 0 : i32
        %shift_right_logical3A_153 = vector.broadcast %shift_right_logical3A_152 : i32 to vector<16xi32>
        %shift_right_logical3A_154 = arith.shrui %get3A_101, %shift_right_logical3A_153 : vector<16xi32>
        %and3A_155 = arith.constant 1 : i32
        %and3A_156 = vector.broadcast %and3A_155 : i32 to vector<16xi32>
        %and3A_157 = arith.andi %shift_right_logical3A_154, %and3A_156 : vector<16xi32>
        %add3A_158 = arith.constant 101 : i32
        %add3A_159 = vector.broadcast %add3A_158 : i32 to vector<16xi32>
        %add3A_160 = arith.addi %mul3A_5, %add3A_159 : vector<16xi32>
        %convert_element_type3A_161 = arith.sitofp %and3A_157 : vector<16xi32> to vector<16xf32>
        tpu.vector_store_idx %arg5[%add3A_35, %add3A_160], %convert_element_type3A_161 : memref<64x1200xf32, #tpu.memory_space<vmem>>[vector<16xi32>, vector<16xi32>], vector<16xf32>,
        %add3A_162 = arith.constant 32 : i32
        %add3A_163 = arith.addi %mul3A_37, %add3A_162 : i32
        %get3A_164 = arith.index_cast %add3A_163 : i32 to index
        %get3A_165 = tpu.vector_load %arg4[%get3A_164] {strides = array<i32>} : memref<12816xi32, #tpu.memory_space<vmem>>, vector<16xi32>,
        %shift_right_logical3A_166 = arith.constant 5 : i32
        %shift_right_logical3A_167 = vector.broadcast %shift_right_logical3A_166 : i32 to vector<16xi32>
        %shift_right_logical3A_168 = arith.shrui %get3A_165, %shift_right_logical3A_167 : vector<16xi32>
        %and3A_169 = arith.constant 1 : i32
        %and3A_170 = vector.broadcast %and3A_169 : i32 to vector<16xi32>
        %and3A_171 = arith.andi %shift_right_logical3A_168, %and3A_170 : vector<16xi32>
        %add3A_172 = arith.constant 192 : i32
        %add3A_173 = vector.broadcast %add3A_172 : i32 to vector<16xi32>
        %add3A_174 = arith.addi %mul3A_5, %add3A_173 : vector<16xi32>
        %convert_element_type3A_175 = arith.sitofp %and3A_171 : vector<16xi32> to vector<16xf32>
        tpu.vector_store_idx %arg5[%add3A_35, %add3A_174], %convert_element_type3A_175 : memref<64x1200xf32, #tpu.memory_space<vmem>>[vector<16xi32>, vector<16xi32>], vector<16xf32>,
        %shift_right_logical3A_176 = arith.constant 4 : i32
        %shift_right_logical3A_177 = vector.broadcast %shift_right_logical3A_176 : i32 to vector<16xi32>
        %shift_right_logical3A_178 = arith.shrui %get3A_165, %shift_right_logical3A_177 : vector<16xi32>
        %and3A_179 = arith.constant 1 : i32
        %and3A_180 = vector.broadcast %and3A_179 : i32 to vector<16xi32>
        %and3A_181 = arith.andi %shift_right_logical3A_178, %and3A_180 : vector<16xi32>
        %add3A_182 = arith.constant 193 : i32
        %add3A_183 = vector.broadcast %add3A_182 : i32 to vector<16xi32>
        %add3A_184 = arith.addi %mul3A_5, %add3A_183 : vector<16xi32>
        %convert_element_type3A_185 = arith.sitofp %and3A_181 : vector<16xi32> to vector<16xf32>
        tpu.vector_store_idx %arg5[%add3A_35, %add3A_184], %convert_element_type3A_185 : memref<64x1200xf32, #tpu.memory_space<vmem>>[vector<16xi32>, vector<16xi32>], vector<16xf32>,
        %shift_right_logical3A_186 = arith.constant 3 : i32
        %shift_right_logical3A_187 = vector.broadcast %shift_right_logical3A_186 : i32 to vector<16xi32>
        %shift_right_logical3A_188 = arith.shrui %get3A_165, %shift_right_logical3A_187 : vector<16xi32>
        %and3A_189 = arith.constant 1 : i32
        %and3A_190 = vector.broadcast %and3A_189 : i32 to vector<16xi32>
        %and3A_191 = arith.andi %shift_right_logical3A_188, %and3A_190 : vector<16xi32>
        %add3A_192 = arith.constant 194 : i32
        %add3A_193 = vector.broadcast %add3A_192 : i32 to vector<16xi32>
        %add3A_194 = arith.addi %mul3A_5, %add3A_193 : vector<16xi32>
        %convert_element_type3A_195 = arith.sitofp %and3A_191 : vector<16xi32> to vector<16xf32>
        tpu.vector_store_idx %arg5[%add3A_35, %add3A_194], %convert_element_type3A_195 : memref<64x1200xf32, #tpu.memory_space<vmem>>[vector<16xi32>, vector<16xi32>], vector<16xf32>,
        %shift_right_logical3A_196 = arith.constant 2 : i32
        %shift_right_logical3A_197 = vector.broadcast %shift_right_logical3A_196 : i32 to vector<16xi32>
        %shift_right_logical3A_198 = arith.shrui %get3A_165, %shift_right_logical3A_197 : vector<16xi32>
        %and3A_199 = arith.constant 1 : i32
        %and3A_200 = vector.broadcast %and3A_199 : i32 to vector<16xi32>
        %and3A_201 = arith.andi %shift_right_logical3A_198, %and3A_200 : vector<16xi32>
        %add3A_202 = arith.constant 195 : i32
        %add3A_203 = vector.broadcast %add3A_202 : i32 to vector<16xi32>
        %add3A_204 = arith.addi %mul3A_5, %add3A_203 : vector<16xi32>
        %convert_element_type3A_205 = arith.sitofp %and3A_201 : vector<16xi32> to vector<16xf32>
        tpu.vector_store_idx %arg5[%add3A_35, %add3A_204], %convert_element_type3A_205 : memref<64x1200xf32, #tpu.memory_space<vmem>>[vector<16xi32>, vector<16xi32>], vector<16xf32>,
        %shift_right_logical3A_206 = arith.constant 1 : i32
        %shift_right_logical3A_207 = vector.broadcast %shift_right_logical3A_206 : i32 to vector<16xi32>
        %shift_right_logical3A_208 = arith.shrui %get3A_165, %shift_right_logical3A_207 : vector<16xi32>
        %and3A_209 = arith.constant 1 : i32
        %and3A_210 = vector.broadcast %and3A_209 : i32 to vector<16xi32>
        %and3A_211 = arith.andi %shift_right_logical3A_208, %and3A_210 : vector<16xi32>
        %add3A_212 = arith.constant 196 : i32
        %add3A_213 = vector.broadcast %add3A_212 : i32 to vector<16xi32>
        %add3A_214 = arith.addi %mul3A_5, %add3A_213 : vector<16xi32>
        %convert_element_type3A_215 = arith.sitofp %and3A_211 : vector<16xi32> to vector<16xf32>
        tpu.vector_store_idx %arg5[%add3A_35, %add3A_214], %convert_element_type3A_215 : memref<64x1200xf32, #tpu.memory_space<vmem>>[vector<16xi32>, vector<16xi32>], vector<16xf32>,
        %shift_right_logical3A_216 = arith.constant 0 : i32
        %shift_right_logical3A_217 = vector.broadcast %shift_right_logical3A_216 : i32 to vector<16xi32>
        %shift_right_logical3A_218 = arith.shrui %get3A_165, %shift_right_logical3A_217 : vector<16xi32>
        %and3A_219 = arith.constant 1 : i32
        %and3A_220 = vector.broadcast %and3A_219 : i32 to vector<16xi32>
        %and3A_221 = arith.andi %shift_right_logical3A_218, %and3A_220 : vector<16xi32>
        %add3A_222 = arith.constant 197 : i32
        %add3A_223 = vector.broadcast %add3A_222 : i32 to vector<16xi32>
        %add3A_224 = arith.addi %mul3A_5, %add3A_223 : vector<16xi32>
        %convert_element_type3A_225 = arith.sitofp %and3A_221 : vector<16xi32> to vector<16xf32>
        tpu.vector_store_idx %arg5[%add3A_35, %add3A_224], %convert_element_type3A_225 : memref<64x1200xf32, #tpu.memory_space<vmem>>[vector<16xi32>, vector<16xi32>], vector<16xf32>,
        %add3A_226 = arith.constant 48 : i32
        %add3A_227 = arith.addi %mul3A_37, %add3A_226 : i32
        %get3A_228 = arith.index_cast %add3A_227 : i32 to index
        %get3A_229 = tpu.vector_load %arg4[%get3A_228] {strides = array<i32>} : memref<12816xi32, #tpu.memory_space<vmem>>, vector<16xi32>,
        %shift_right_logical3A_230 = arith.constant 5 : i32
        %shift_right_logical3A_231 = vector.broadcast %shift_right_logical3A_230 : i32 to vector<16xi32>
        %shift_right_logical3A_232 = arith.shrui %get3A_229, %shift_right_logical3A_231 : vector<16xi32>
        %and3A_233 = arith.constant 1 : i32
        %and3A_234 = vector.broadcast %and3A_233 : i32 to vector<16xi32>
        %and3A_235 = arith.andi %shift_right_logical3A_232, %and3A_234 : vector<16xi32>
        %add3A_236 = arith.constant 288 : i32
        %add3A_237 = vector.broadcast %add3A_236 : i32 to vector<16xi32>
        %add3A_238 = arith.addi %mul3A_5, %add3A_237 : vector<16xi32>
        %convert_element_type3A_239 = arith.sitofp %and3A_235 : vector<16xi32> to vector<16xf32>
        tpu.vector_store_idx %arg5[%add3A_35, %add3A_238], %convert_element_type3A_239 : memref<64x1200xf32, #tpu.memory_space<vmem>>[vector<16xi32>, vector<16xi32>], vector<16xf32>,
        %shift_right_logical3A_240 = arith.constant 4 : i32
        %shift_right_logical3A_241 = vector.broadcast %shift_right_logical3A_240 : i32 to vector<16xi32>
        %shift_right_logical3A_242 = arith.shrui %get3A_229, %shift_right_logical3A_241 : vector<16xi32>
        %and3A_243 = arith.constant 1 : i32
        %and3A_244 = vector.broadcast %and3A_243 : i32 to vector<16xi32>
        %and3A_245 = arith.andi %shift_right_logical3A_242, %and3A_244 : vector<16xi32>
        %add3A_246 = arith.constant 289 : i32
        %add3A_247 = vector.broadcast %add3A_246 : i32 to vector<16xi32>
        %add3A_248 = arith.addi %mul3A_5, %add3A_247 : vector<16xi32>
        %convert_element_type3A_249 = arith.sitofp %and3A_245 : vector<16xi32> to vector<16xf32>
        tpu.vector_store_idx %arg5[%add3A_35, %add3A_248], %convert_element_type3A_249 : memref<64x1200xf32, #tpu.memory_space<vmem>>[vector<16xi32>, vector<16xi32>], vector<16xf32>,
        %shift_right_logical3A_250 = arith.constant 3 : i32
        %shift_right_logical3A_251 = vector.broadcast %shift_right_logical3A_250 : i32 to vector<16xi32>
        %shift_right_logical3A_252 = arith.shrui %get3A_229, %shift_right_logical3A_251 : vector<16xi32>
        %and3A_253 = arith.constant 1 : i32
        %and3A_254 = vector.broadcast %and3A_253 : i32 to vector<16xi32>
        %and3A_255 = arith.andi %shift_right_logical3A_252, %and3A_254 : vector<16xi32>
        %add3A_256 = arith.constant 290 : i32
        %add3A_257 = vector.broadcast %add3A_256 : i32 to vector<16xi32>
        %add3A_258 = arith.addi %mul3A_5, %add3A_257 : vector<16xi32>
        %convert_element_type3A_259 = arith.sitofp %and3A_255 : vector<16xi32> to vector<16xf32>
        tpu.vector_store_idx %arg5[%add3A_35, %add3A_258], %convert_element_type3A_259 : memref<64x1200xf32, #tpu.memory_space<vmem>>[vector<16xi32>, vector<16xi32>], vector<16xf32>,
        %shift_right_logical3A_260 = arith.constant 2 : i32
        %shift_right_logical3A_261 = vector.broadcast %shift_right_logical3A_260 : i32 to vector<16xi32>
        %shift_right_logical3A_262 = arith.shrui %get3A_229, %shift_right_logical3A_261 : vector<16xi32>
        %and3A_263 = arith.constant 1 : i32
        %and3A_264 = vector.broadcast %and3A_263 : i32 to vector<16xi32>
        %and3A_265 = arith.andi %shift_right_logical3A_262, %and3A_264 : vector<16xi32>
        %add3A_266 = arith.constant 291 : i32
        %add3A_267 = vector.broadcast %add3A_266 : i32 to vector<16xi32>
        %add3A_268 = arith.addi %mul3A_5, %add3A_267 : vector<16xi32>
        %convert_element_type3A_269 = arith.sitofp %and3A_265 : vector<16xi32> to vector<16xf32>
        tpu.vector_store_idx %arg5[%add3A_35, %add3A_268], %convert_element_type3A_269 : memref<64x1200xf32, #tpu.memory_space<vmem>>[vector<16xi32>, vector<16xi32>], vector<16xf32>,
        %shift_right_logical3A_270 = arith.constant 1 : i32
        %shift_right_logical3A_271 = vector.broadcast %shift_right_logical3A_270 : i32 to vector<16xi32>
        %shift_right_logical3A_272 = arith.shrui %get3A_229, %shift_right_logical3A_271 : vector<16xi32>
        %and3A_273 = arith.constant 1 : i32
        %and3A_274 = vector.broadcast %and3A_273 : i32 to vector<16xi32>
        %and3A_275 = arith.andi %shift_right_logical3A_272, %and3A_274 : vector<16xi32>
        %add3A_276 = arith.constant 292 : i32
        %add3A_277 = vector.broadcast %add3A_276 : i32 to vector<16xi32>
        %add3A_278 = arith.addi %mul3A_5, %add3A_277 : vector<16xi32>
        %convert_element_type3A_279 = arith.sitofp %and3A_275 : vector<16xi32> to vector<16xf32>
        tpu.vector_store_idx %arg5[%add3A_35, %add3A_278], %convert_element_type3A_279 : memref<64x1200xf32, #tpu.memory_space<vmem>>[vector<16xi32>, vector<16xi32>], vector<16xf32>,
        %shift_right_logical3A_280 = arith.constant 0 : i32
        %shift_right_logical3A_281 = vector.broadcast %shift_right_logical3A_280 : i32 to vector<16xi32>
        %shift_right_logical3A_282 = arith.shrui %get3A_229, %shift_right_logical3A_281 : vector<16xi32>
        %and3A_283 = arith.constant 1 : i32
        %and3A_284 = vector.broadcast %and3A_283 : i32 to vector<16xi32>
        %and3A_285 = arith.andi %shift_right_logical3A_282, %and3A_284 : vector<16xi32>
        %add3A_286 = arith.constant 293 : i32
        %add3A_287 = vector.broadcast %add3A_286 : i32 to vector<16xi32>
        %add3A_288 = arith.addi %mul3A_5, %add3A_287 : vector<16xi32>
        %convert_element_type3A_289 = arith.sitofp %and3A_285 : vector<16xi32> to vector<16xf32>
        tpu.vector_store_idx %arg5[%add3A_35, %add3A_288], %convert_element_type3A_289 : memref<64x1200xf32, #tpu.memory_space<vmem>>[vector<16xi32>, vector<16xi32>], vector<16xf32>,
        %add3A_290 = arith.constant 64 : i32
        %add3A_291 = arith.addi %mul3A_37, %add3A_290 : i32
        %get3A_292 = arith.index_cast %add3A_291 : i32 to index
        %get3A_293 = tpu.vector_load %arg4[%get3A_292] {strides = array<i32>} : memref<12816xi32, #tpu.memory_space<vmem>>, vector<16xi32>,
        %shift_right_logical3A_294 = arith.constant 5 : i32
        %shift_right_logical3A_295 = vector.broadcast %shift_right_logical3A_294 : i32 to vector<16xi32>
        %shift_right_logical3A_296 = arith.shrui %get3A_293, %shift_right_logical3A_295 : vector<16xi32>
        %and3A_297 = arith.constant 1 : i32
        %and3A_298 = vector.broadcast %and3A_297 : i32 to vector<16xi32>
        %and3A_299 = arith.andi %shift_right_logical3A_296, %and3A_298 : vector<16xi32>
        %add3A_300 = arith.constant 384 : i32
        %add3A_301 = vector.broadcast %add3A_300 : i32 to vector<16xi32>
        %add3A_302 = arith.addi %mul3A_5, %add3A_301 : vector<16xi32>
        %convert_element_type3A_303 = arith.sitofp %and3A_299 : vector<16xi32> to vector<16xf32>
        tpu.vector_store_idx %arg5[%add3A_35, %add3A_302], %convert_element_type3A_303 : memref<64x1200xf32, #tpu.memory_space<vmem>>[vector<16xi32>, vector<16xi32>], vector<16xf32>,
        %shift_right_logical3A_304 = arith.constant 4 : i32
        %shift_right_logical3A_305 = vector.broadcast %shift_right_logical3A_304 : i32 to vector<16xi32>
        %shift_right_logical3A_306 = arith.shrui %get3A_293, %shift_right_logical3A_305 : vector<16xi32>
        %and3A_307 = arith.constant 1 : i32
        %and3A_308 = vector.broadcast %and3A_307 : i32 to vector<16xi32>
        %and3A_309 = arith.andi %shift_right_logical3A_306, %and3A_308 : vector<16xi32>
        %add3A_310 = arith.constant 385 : i32
        %add3A_311 = vector.broadcast %add3A_310 : i32 to vector<16xi32>
        %add3A_312 = arith.addi %mul3A_5, %add3A_311 : vector<16xi32>
        %convert_element_type3A_313 = arith.sitofp %and3A_309 : vector<16xi32> to vector<16xf32>
        tpu.vector_store_idx %arg5[%add3A_35, %add3A_312], %convert_element_type3A_313 : memref<64x1200xf32, #tpu.memory_space<vmem>>[vector<16xi32>, vector<16xi32>], vector<16xf32>,
        %shift_right_logical3A_314 = arith.constant 3 : i32
        %shift_right_logical3A_315 = vector.broadcast %shift_right_logical3A_314 : i32 to vector<16xi32>
        %shift_right_logical3A_316 = arith.shrui %get3A_293, %shift_right_logical3A_315 : vector<16xi32>
        %and3A_317 = arith.constant 1 : i32
        %and3A_318 = vector.broadcast %and3A_317 : i32 to vector<16xi32>
        %and3A_319 = arith.andi %shift_right_logical3A_316, %and3A_318 : vector<16xi32>
        %add3A_320 = arith.constant 386 : i32
        %add3A_321 = vector.broadcast %add3A_320 : i32 to vector<16xi32>
        %add3A_322 = arith.addi %mul3A_5, %add3A_321 : vector<16xi32>
        %convert_element_type3A_323 = arith.sitofp %and3A_319 : vector<16xi32> to vector<16xf32>
        tpu.vector_store_idx %arg5[%add3A_35, %add3A_322], %convert_element_type3A_323 : memref<64x1200xf32, #tpu.memory_space<vmem>>[vector<16xi32>, vector<16xi32>], vector<16xf32>,
        %shift_right_logical3A_324 = arith.constant 2 : i32
        %shift_right_logical3A_325 = vector.broadcast %shift_right_logical3A_324 : i32 to vector<16xi32>
        %shift_right_logical3A_326 = arith.shrui %get3A_293, %shift_right_logical3A_325 : vector<16xi32>
        %and3A_327 = arith.constant 1 : i32
        %and3A_328 = vector.broadcast %and3A_327 : i32 to vector<16xi32>
        %and3A_329 = arith.andi %shift_right_logical3A_326, %and3A_328 : vector<16xi32>
        %add3A_330 = arith.constant 387 : i32
        %add3A_331 = vector.broadcast %add3A_330 : i32 to vector<16xi32>
        %add3A_332 = arith.addi %mul3A_5, %add3A_331 : vector<16xi32>
        %convert_element_type3A_333 = arith.sitofp %and3A_329 : vector<16xi32> to vector<16xf32>
        tpu.vector_store_idx %arg5[%add3A_35, %add3A_332], %convert_element_type3A_333 : memref<64x1200xf32, #tpu.memory_space<vmem>>[vector<16xi32>, vector<16xi32>], vector<16xf32>,
        %shift_right_logical3A_334 = arith.constant 1 : i32
        %shift_right_logical3A_335 = vector.broadcast %shift_right_logical3A_334 : i32 to vector<16xi32>
        %shift_right_logical3A_336 = arith.shrui %get3A_293, %shift_right_logical3A_335 : vector<16xi32>
        %and3A_337 = arith.constant 1 : i32
        %and3A_338 = vector.broadcast %and3A_337 : i32 to vector<16xi32>
        %and3A_339 = arith.andi %shift_right_logical3A_336, %and3A_338 : vector<16xi32>
        %add3A_340 = arith.constant 388 : i32
        %add3A_341 = vector.broadcast %add3A_340 : i32 to vector<16xi32>
        %add3A_342 = arith.addi %mul3A_5, %add3A_341 : vector<16xi32>
        %convert_element_type3A_343 = arith.sitofp %and3A_339 : vector<16xi32> to vector<16xf32>
        tpu.vector_store_idx %arg5[%add3A_35, %add3A_342], %convert_element_type3A_343 : memref<64x1200xf32, #tpu.memory_space<vmem>>[vector<16xi32>, vector<16xi32>], vector<16xf32>,
        %shift_right_logical3A_344 = arith.constant 0 : i32
        %shift_right_logical3A_345 = vector.broadcast %shift_right_logical3A_344 : i32 to vector<16xi32>
        %shift_right_logical3A_346 = arith.shrui %get3A_293, %shift_right_logical3A_345 : vector<16xi32>
        %and3A_347 = arith.constant 1 : i32
        %and3A_348 = vector.broadcast %and3A_347 : i32 to vector<16xi32>
        %and3A_349 = arith.andi %shift_right_logical3A_346, %and3A_348 : vector<16xi32>
        %add3A_350 = arith.constant 389 : i32
        %add3A_351 = vector.broadcast %add3A_350 : i32 to vector<16xi32>
        %add3A_352 = arith.addi %mul3A_5, %add3A_351 : vector<16xi32>
        %convert_element_type3A_353 = arith.sitofp %and3A_349 : vector<16xi32> to vector<16xf32>
        tpu.vector_store_idx %arg5[%add3A_35, %add3A_352], %convert_element_type3A_353 : memref<64x1200xf32, #tpu.memory_space<vmem>>[vector<16xi32>, vector<16xi32>], vector<16xf32>,
        %add3A_354 = arith.constant 80 : i32
        %add3A_355 = arith.addi %mul3A_37, %add3A_354 : i32
        %get3A_356 = arith.index_cast %add3A_355 : i32 to index
        %get3A_357 = tpu.vector_load %arg4[%get3A_356] {strides = array<i32>} : memref<12816xi32, #tpu.memory_space<vmem>>, vector<16xi32>,
        %shift_right_logical3A_358 = arith.constant 5 : i32
        %shift_right_logical3A_359 = vector.broadcast %shift_right_logical3A_358 : i32 to vector<16xi32>
        %shift_right_logical3A_360 = arith.shrui %get3A_357, %shift_right_logical3A_359 : vector<16xi32>
        %and3A_361 = arith.constant 1 : i32
        %and3A_362 = vector.broadcast %and3A_361 : i32 to vector<16xi32>
        %and3A_363 = arith.andi %shift_right_logical3A_360, %and3A_362 : vector<16xi32>
        %add3A_364 = arith.constant 480 : i32
        %add3A_365 = vector.broadcast %add3A_364 : i32 to vector<16xi32>
        %add3A_366 = arith.addi %mul3A_5, %add3A_365 : vector<16xi32>
        %convert_element_type3A_367 = arith.sitofp %and3A_363 : vector<16xi32> to vector<16xf32>
        tpu.vector_store_idx %arg5[%add3A_35, %add3A_366], %convert_element_type3A_367 : memref<64x1200xf32, #tpu.memory_space<vmem>>[vector<16xi32>, vector<16xi32>], vector<16xf32>,
        %shift_right_logical3A_368 = arith.constant 4 : i32
        %shift_right_logical3A_369 = vector.broadcast %shift_right_logical3A_368 : i32 to vector<16xi32>
        %shift_right_logical3A_370 = arith.shrui %get3A_357, %shift_right_logical3A_369 : vector<16xi32>
        %and3A_371 = arith.constant 1 : i32
        %and3A_372 = vector.broadcast %and3A_371 : i32 to vector<16xi32>
        %and3A_373 = arith.andi %shift_right_logical3A_370, %and3A_372 : vector<16xi32>
        %add3A_374 = arith.constant 481 : i32
        %add3A_375 = vector.broadcast %add3A_374 : i32 to vector<16xi32>
        %add3A_376 = arith.addi %mul3A_5, %add3A_375 : vector<16xi32>
        %convert_element_type3A_377 = arith.sitofp %and3A_373 : vector<16xi32> to vector<16xf32>
        tpu.vector_store_idx %arg5[%add3A_35, %add3A_376], %convert_element_type3A_377 : memref<64x1200xf32, #tpu.memory_space<vmem>>[vector<16xi32>, vector<16xi32>], vector<16xf32>,
        %shift_right_logical3A_378 = arith.constant 3 : i32
        %shift_right_logical3A_379 = vector.broadcast %shift_right_logical3A_378 : i32 to vector<16xi32>
        %shift_right_logical3A_380 = arith.shrui %get3A_357, %shift_right_logical3A_379 : vector<16xi32>
        %and3A_381 = arith.constant 1 : i32
        %and3A_382 = vector.broadcast %and3A_381 : i32 to vector<16xi32>
        %and3A_383 = arith.andi %shift_right_logical3A_380, %and3A_382 : vector<16xi32>
        %add3A_384 = arith.constant 482 : i32
        %add3A_385 = vector.broadcast %add3A_384 : i32 to vector<16xi32>
        %add3A_386 = arith.addi %mul3A_5, %add3A_385 : vector<16xi32>
        %convert_element_type3A_387 = arith.sitofp %and3A_383 : vector<16xi32> to vector<16xf32>
        tpu.vector_store_idx %arg5[%add3A_35, %add3A_386], %convert_element_type3A_387 : memref<64x1200xf32, #tpu.memory_space<vmem>>[vector<16xi32>, vector<16xi32>], vector<16xf32>,
        %shift_right_logical3A_388 = arith.constant 2 : i32
        %shift_right_logical3A_389 = vector.broadcast %shift_right_logical3A_388 : i32 to vector<16xi32>
        %shift_right_logical3A_390 = arith.shrui %get3A_357, %shift_right_logical3A_389 : vector<16xi32>
        %and3A_391 = arith.constant 1 : i32
        %and3A_392 = vector.broadcast %and3A_391 : i32 to vector<16xi32>
        %and3A_393 = arith.andi %shift_right_logical3A_390, %and3A_392 : vector<16xi32>
        %add3A_394 = arith.constant 483 : i32
        %add3A_395 = vector.broadcast %add3A_394 : i32 to vector<16xi32>
        %add3A_396 = arith.addi %mul3A_5, %add3A_395 : vector<16xi32>
        %convert_element_type3A_397 = arith.sitofp %and3A_393 : vector<16xi32> to vector<16xf32>
        tpu.vector_store_idx %arg5[%add3A_35, %add3A_396], %convert_element_type3A_397 : memref<64x1200xf32, #tpu.memory_space<vmem>>[vector<16xi32>, vector<16xi32>], vector<16xf32>,
        %shift_right_logical3A_398 = arith.constant 1 : i32
        %shift_right_logical3A_399 = vector.broadcast %shift_right_logical3A_398 : i32 to vector<16xi32>
        %shift_right_logical3A_400 = arith.shrui %get3A_357, %shift_right_logical3A_399 : vector<16xi32>
        %and3A_401 = arith.constant 1 : i32
        %and3A_402 = vector.broadcast %and3A_401 : i32 to vector<16xi32>
        %and3A_403 = arith.andi %shift_right_logical3A_400, %and3A_402 : vector<16xi32>
        %add3A_404 = arith.constant 484 : i32
        %add3A_405 = vector.broadcast %add3A_404 : i32 to vector<16xi32>
        %add3A_406 = arith.addi %mul3A_5, %add3A_405 : vector<16xi32>
        %convert_element_type3A_407 = arith.sitofp %and3A_403 : vector<16xi32> to vector<16xf32>
        tpu.vector_store_idx %arg5[%add3A_35, %add3A_406], %convert_element_type3A_407 : memref<64x1200xf32, #tpu.memory_space<vmem>>[vector<16xi32>, vector<16xi32>], vector<16xf32>,
        %shift_right_logical3A_408 = arith.constant 0 : i32
        %shift_right_logical3A_409 = vector.broadcast %shift_right_logical3A_408 : i32 to vector<16xi32>
        %shift_right_logical3A_410 = arith.shrui %get3A_357, %shift_right_logical3A_409 : vector<16xi32>
        %and3A_411 = arith.constant 1 : i32
        %and3A_412 = vector.broadcast %and3A_411 : i32 to vector<16xi32>
        %and3A_413 = arith.andi %shift_right_logical3A_410, %and3A_412 : vector<16xi32>
        %add3A_414 = arith.constant 485 : i32
        %add3A_415 = vector.broadcast %add3A_414 : i32 to vector<16xi32>
        %add3A_416 = arith.addi %mul3A_5, %add3A_415 : vector<16xi32>
        %convert_element_type3A_417 = arith.sitofp %and3A_413 : vector<16xi32> to vector<16xf32>
        tpu.vector_store_idx %arg5[%add3A_35, %add3A_416], %convert_element_type3A_417 : memref<64x1200xf32, #tpu.memory_space<vmem>>[vector<16xi32>, vector<16xi32>], vector<16xf32>,
        %add3A_418 = arith.constant 96 : i32
        %add3A_419 = arith.addi %mul3A_37, %add3A_418 : i32
        %get3A_420 = arith.index_cast %add3A_419 : i32 to index
        %get3A_421 = tpu.vector_load %arg4[%get3A_420] {strides = array<i32>} : memref<12816xi32, #tpu.memory_space<vmem>>, vector<16xi32>,
        %shift_right_logical3A_422 = arith.constant 5 : i32
        %shift_right_logical3A_423 = vector.broadcast %shift_right_logical3A_422 : i32 to vector<16xi32>
        %shift_right_logical3A_424 = arith.shrui %get3A_421, %shift_right_logical3A_423 : vector<16xi32>
        %and3A_425 = arith.constant 1 : i32
        %and3A_426 = vector.broadcast %and3A_425 : i32 to vector<16xi32>
        %and3A_427 = arith.andi %shift_right_logical3A_424, %and3A_426 : vector<16xi32>
        %add3A_428 = arith.constant 576 : i32
        %add3A_429 = vector.broadcast %add3A_428 : i32 to vector<16xi32>
        %add3A_430 = arith.addi %mul3A_5, %add3A_429 : vector<16xi32>
        %convert_element_type3A_431 = arith.sitofp %and3A_427 : vector<16xi32> to vector<16xf32>
        tpu.vector_store_idx %arg5[%add3A_35, %add3A_430], %convert_element_type3A_431 : memref<64x1200xf32, #tpu.memory_space<vmem>>[vector<16xi32>, vector<16xi32>], vector<16xf32>,
        %shift_right_logical3A_432 = arith.constant 4 : i32
        %shift_right_logical3A_433 = vector.broadcast %shift_right_logical3A_432 : i32 to vector<16xi32>
        %shift_right_logical3A_434 = arith.shrui %get3A_421, %shift_right_logical3A_433 : vector<16xi32>
        %and3A_435 = arith.constant 1 : i32
        %and3A_436 = vector.broadcast %and3A_435 : i32 to vector<16xi32>
        %and3A_437 = arith.andi %shift_right_logical3A_434, %and3A_436 : vector<16xi32>
        %add3A_438 = arith.constant 577 : i32
        %add3A_439 = vector.broadcast %add3A_438 : i32 to vector<16xi32>
        %add3A_440 = arith.addi %mul3A_5, %add3A_439 : vector<16xi32>
        %convert_element_type3A_441 = arith.sitofp %and3A_437 : vector<16xi32> to vector<16xf32>
        tpu.vector_store_idx %arg5[%add3A_35, %add3A_440], %convert_element_type3A_441 : memref<64x1200xf32, #tpu.memory_space<vmem>>[vector<16xi32>, vector<16xi32>], vector<16xf32>,
        %shift_right_logical3A_442 = arith.constant 3 : i32
        %shift_right_logical3A_443 = vector.broadcast %shift_right_logical3A_442 : i32 to vector<16xi32>
        %shift_right_logical3A_444 = arith.shrui %get3A_421, %shift_right_logical3A_443 : vector<16xi32>
        %and3A_445 = arith.constant 1 : i32
        %and3A_446 = vector.broadcast %and3A_445 : i32 to vector<16xi32>
        %and3A_447 = arith.andi %shift_right_logical3A_444, %and3A_446 : vector<16xi32>
        %add3A_448 = arith.constant 578 : i32
        %add3A_449 = vector.broadcast %add3A_448 : i32 to vector<16xi32>
        %add3A_450 = arith.addi %mul3A_5, %add3A_449 : vector<16xi32>
        %convert_element_type3A_451 = arith.sitofp %and3A_447 : vector<16xi32> to vector<16xf32>
        tpu.vector_store_idx %arg5[%add3A_35, %add3A_450], %convert_element_type3A_451 : memref<64x1200xf32, #tpu.memory_space<vmem>>[vector<16xi32>, vector<16xi32>], vector<16xf32>,
        %shift_right_logical3A_452 = arith.constant 2 : i32
        %shift_right_logical3A_453 = vector.broadcast %shift_right_logical3A_452 : i32 to vector<16xi32>
        %shift_right_logical3A_454 = arith.shrui %get3A_421, %shift_right_logical3A_453 : vector<16xi32>
        %and3A_455 = arith.constant 1 : i32
        %and3A_456 = vector.broadcast %and3A_455 : i32 to vector<16xi32>
        %and3A_457 = arith.andi %shift_right_logical3A_454, %and3A_456 : vector<16xi32>
        %add3A_458 = arith.constant 579 : i32
        %add3A_459 = vector.broadcast %add3A_458 : i32 to vector<16xi32>
        %add3A_460 = arith.addi %mul3A_5, %add3A_459 : vector<16xi32>
        %convert_element_type3A_461 = arith.sitofp %and3A_457 : vector<16xi32> to vector<16xf32>
        tpu.vector_store_idx %arg5[%add3A_35, %add3A_460], %convert_element_type3A_461 : memref<64x1200xf32, #tpu.memory_space<vmem>>[vector<16xi32>, vector<16xi32>], vector<16xf32>,
        %shift_right_logical3A_462 = arith.constant 1 : i32
        %shift_right_logical3A_463 = vector.broadcast %shift_right_logical3A_462 : i32 to vector<16xi32>
        %shift_right_logical3A_464 = arith.shrui %get3A_421, %shift_right_logical3A_463 : vector<16xi32>
        %and3A_465 = arith.constant 1 : i32
        %and3A_466 = vector.broadcast %and3A_465 : i32 to vector<16xi32>
        %and3A_467 = arith.andi %shift_right_logical3A_464, %and3A_466 : vector<16xi32>
        %add3A_468 = arith.constant 580 : i32
        %add3A_469 = vector.broadcast %add3A_468 : i32 to vector<16xi32>
        %add3A_470 = arith.addi %mul3A_5, %add3A_469 : vector<16xi32>
        %convert_element_type3A_471 = arith.sitofp %and3A_467 : vector<16xi32> to vector<16xf32>
        tpu.vector_store_idx %arg5[%add3A_35, %add3A_470], %convert_element_type3A_471 : memref<64x1200xf32, #tpu.memory_space<vmem>>[vector<16xi32>, vector<16xi32>], vector<16xf32>,
        %shift_right_logical3A_472 = arith.constant 0 : i32
        %shift_right_logical3A_473 = vector.broadcast %shift_right_logical3A_472 : i32 to vector<16xi32>
        %shift_right_logical3A_474 = arith.shrui %get3A_421, %shift_right_logical3A_473 : vector<16xi32>
        %and3A_475 = arith.constant 1 : i32
        %and3A_476 = vector.broadcast %and3A_475 : i32 to vector<16xi32>
        %and3A_477 = arith.andi %shift_right_logical3A_474, %and3A_476 : vector<16xi32>
        %add3A_478 = arith.constant 581 : i32
        %add3A_479 = vector.broadcast %add3A_478 : i32 to vector<16xi32>
        %add3A_480 = arith.addi %mul3A_5, %add3A_479 : vector<16xi32>
        %convert_element_type3A_481 = arith.sitofp %and3A_477 : vector<16xi32> to vector<16xf32>
        tpu.vector_store_idx %arg5[%add3A_35, %add3A_480], %convert_element_type3A_481 : memref<64x1200xf32, #tpu.memory_space<vmem>>[vector<16xi32>, vector<16xi32>], vector<16xf32>,
        %add3A_482 = arith.constant 112 : i32
        %add3A_483 = arith.addi %mul3A_37, %add3A_482 : i32
        %get3A_484 = arith.index_cast %add3A_483 : i32 to index
        %get3A_485 = tpu.vector_load %arg4[%get3A_484] {strides = array<i32>} : memref<12816xi32, #tpu.memory_space<vmem>>, vector<16xi32>,
        %shift_right_logical3A_486 = arith.constant 5 : i32
        %shift_right_logical3A_487 = vector.broadcast %shift_right_logical3A_486 : i32 to vector<16xi32>
        %shift_right_logical3A_488 = arith.shrui %get3A_485, %shift_right_logical3A_487 : vector<16xi32>
        %and3A_489 = arith.constant 1 : i32
        %and3A_490 = vector.broadcast %and3A_489 : i32 to vector<16xi32>
        %and3A_491 = arith.andi %shift_right_logical3A_488, %and3A_490 : vector<16xi32>
        %add3A_492 = arith.constant 672 : i32
        %add3A_493 = vector.broadcast %add3A_492 : i32 to vector<16xi32>
        %add3A_494 = arith.addi %mul3A_5, %add3A_493 : vector<16xi32>
        %convert_element_type3A_495 = arith.sitofp %and3A_491 : vector<16xi32> to vector<16xf32>
        tpu.vector_store_idx %arg5[%add3A_35, %add3A_494], %convert_element_type3A_495 : memref<64x1200xf32, #tpu.memory_space<vmem>>[vector<16xi32>, vector<16xi32>], vector<16xf32>,
        %shift_right_logical3A_496 = arith.constant 4 : i32
        %shift_right_logical3A_497 = vector.broadcast %shift_right_logical3A_496 : i32 to vector<16xi32>
        %shift_right_logical3A_498 = arith.shrui %get3A_485, %shift_right_logical3A_497 : vector<16xi32>
        %and3A_499 = arith.constant 1 : i32
        %and3A_500 = vector.broadcast %and3A_499 : i32 to vector<16xi32>
        %and3A_501 = arith.andi %shift_right_logical3A_498, %and3A_500 : vector<16xi32>
        %add3A_502 = arith.constant 673 : i32
        %add3A_503 = vector.broadcast %add3A_502 : i32 to vector<16xi32>
        %add3A_504 = arith.addi %mul3A_5, %add3A_503 : vector<16xi32>
        %convert_element_type3A_505 = arith.sitofp %and3A_501 : vector<16xi32> to vector<16xf32>
        tpu.vector_store_idx %arg5[%add3A_35, %add3A_504], %convert_element_type3A_505 : memref<64x1200xf32, #tpu.memory_space<vmem>>[vector<16xi32>, vector<16xi32>], vector<16xf32>,
        %shift_right_logical3A_506 = arith.constant 3 : i32
        %shift_right_logical3A_507 = vector.broadcast %shift_right_logical3A_506 : i32 to vector<16xi32>
        %shift_right_logical3A_508 = arith.shrui %get3A_485, %shift_right_logical3A_507 : vector<16xi32>
        %and3A_509 = arith.constant 1 : i32
        %and3A_510 = vector.broadcast %and3A_509 : i32 to vector<16xi32>
        %and3A_511 = arith.andi %shift_right_logical3A_508, %and3A_510 : vector<16xi32>
        %add3A_512 = arith.constant 674 : i32
        %add3A_513 = vector.broadcast %add3A_512 : i32 to vector<16xi32>
        %add3A_514 = arith.addi %mul3A_5, %add3A_513 : vector<16xi32>
        %convert_element_type3A_515 = arith.sitofp %and3A_511 : vector<16xi32> to vector<16xf32>
        tpu.vector_store_idx %arg5[%add3A_35, %add3A_514], %convert_element_type3A_515 : memref<64x1200xf32, #tpu.memory_space<vmem>>[vector<16xi32>, vector<16xi32>], vector<16xf32>,
        %shift_right_logical3A_516 = arith.constant 2 : i32
        %shift_right_logical3A_517 = vector.broadcast %shift_right_logical3A_516 : i32 to vector<16xi32>
        %shift_right_logical3A_518 = arith.shrui %get3A_485, %shift_right_logical3A_517 : vector<16xi32>
        %and3A_519 = arith.constant 1 : i32
        %and3A_520 = vector.broadcast %and3A_519 : i32 to vector<16xi32>
        %and3A_521 = arith.andi %shift_right_logical3A_518, %and3A_520 : vector<16xi32>
        %add3A_522 = arith.constant 675 : i32
        %add3A_523 = vector.broadcast %add3A_522 : i32 to vector<16xi32>
        %add3A_524 = arith.addi %mul3A_5, %add3A_523 : vector<16xi32>
        %convert_element_type3A_525 = arith.sitofp %and3A_521 : vector<16xi32> to vector<16xf32>
        tpu.vector_store_idx %arg5[%add3A_35, %add3A_524], %convert_element_type3A_525 : memref<64x1200xf32, #tpu.memory_space<vmem>>[vector<16xi32>, vector<16xi32>], vector<16xf32>,
        %shift_right_logical3A_526 = arith.constant 1 : i32
        %shift_right_logical3A_527 = vector.broadcast %shift_right_logical3A_526 : i32 to vector<16xi32>
        %shift_right_logical3A_528 = arith.shrui %get3A_485, %shift_right_logical3A_527 : vector<16xi32>
        %and3A_529 = arith.constant 1 : i32
        %and3A_530 = vector.broadcast %and3A_529 : i32 to vector<16xi32>
        %and3A_531 = arith.andi %shift_right_logical3A_528, %and3A_530 : vector<16xi32>
        %add3A_532 = arith.constant 676 : i32
        %add3A_533 = vector.broadcast %add3A_532 : i32 to vector<16xi32>
        %add3A_534 = arith.addi %mul3A_5, %add3A_533 : vector<16xi32>
        %convert_element_type3A_535 = arith.sitofp %and3A_531 : vector<16xi32> to vector<16xf32>
        tpu.vector_store_idx %arg5[%add3A_35, %add3A_534], %convert_element_type3A_535 : memref<64x1200xf32, #tpu.memory_space<vmem>>[vector<16xi32>, vector<16xi32>], vector<16xf32>,
        %shift_right_logical3A_536 = arith.constant 0 : i32
        %shift_right_logical3A_537 = vector.broadcast %shift_right_logical3A_536 : i32 to vector<16xi32>
        %shift_right_logical3A_538 = arith.shrui %get3A_485, %shift_right_logical3A_537 : vector<16xi32>
        %and3A_539 = arith.constant 1 : i32
        %and3A_540 = vector.broadcast %and3A_539 : i32 to vector<16xi32>
        %and3A_541 = arith.andi %shift_right_logical3A_538, %and3A_540 : vector<16xi32>
        %add3A_542 = arith.constant 677 : i32
        %add3A_543 = vector.broadcast %add3A_542 : i32 to vector<16xi32>
        %add3A_544 = arith.addi %mul3A_5, %add3A_543 : vector<16xi32>
        %convert_element_type3A_545 = arith.sitofp %and3A_541 : vector<16xi32> to vector<16xf32>
        tpu.vector_store_idx %arg5[%add3A_35, %add3A_544], %convert_element_type3A_545 : memref<64x1200xf32, #tpu.memory_space<vmem>>[vector<16xi32>, vector<16xi32>], vector<16xf32>,
        %add3A_546 = arith.constant 128 : i32
        %add3A_547 = arith.addi %mul3A_37, %add3A_546 : i32
        %get3A_548 = arith.index_cast %add3A_547 : i32 to index
        %get3A_549 = tpu.vector_load %arg4[%get3A_548] {strides = array<i32>} : memref<12816xi32, #tpu.memory_space<vmem>>, vector<16xi32>,
        %shift_right_logical3A_550 = arith.constant 5 : i32
        %shift_right_logical3A_551 = vector.broadcast %shift_right_logical3A_550 : i32 to vector<16xi32>
        %shift_right_logical3A_552 = arith.shrui %get3A_549, %shift_right_logical3A_551 : vector<16xi32>
        %and3A_553 = arith.constant 1 : i32
        %and3A_554 = vector.broadcast %and3A_553 : i32 to vector<16xi32>
        %and3A_555 = arith.andi %shift_right_logical3A_552, %and3A_554 : vector<16xi32>
        %add3A_556 = arith.constant 768 : i32
        %add3A_557 = vector.broadcast %add3A_556 : i32 to vector<16xi32>
        %add3A_558 = arith.addi %mul3A_5, %add3A_557 : vector<16xi32>
        %convert_element_type3A_559 = arith.sitofp %and3A_555 : vector<16xi32> to vector<16xf32>
        tpu.vector_store_idx %arg5[%add3A_35, %add3A_558], %convert_element_type3A_559 : memref<64x1200xf32, #tpu.memory_space<vmem>>[vector<16xi32>, vector<16xi32>], vector<16xf32>,
        %shift_right_logical3A_560 = arith.constant 4 : i32
        %shift_right_logical3A_561 = vector.broadcast %shift_right_logical3A_560 : i32 to vector<16xi32>
        %shift_right_logical3A_562 = arith.shrui %get3A_549, %shift_right_logical3A_561 : vector<16xi32>
        %and3A_563 = arith.constant 1 : i32
        %and3A_564 = vector.broadcast %and3A_563 : i32 to vector<16xi32>
        %and3A_565 = arith.andi %shift_right_logical3A_562, %and3A_564 : vector<16xi32>
        %add3A_566 = arith.constant 769 : i32
        %add3A_567 = vector.broadcast %add3A_566 : i32 to vector<16xi32>
        %add3A_568 = arith.addi %mul3A_5, %add3A_567 : vector<16xi32>
        %convert_element_type3A_569 = arith.sitofp %and3A_565 : vector<16xi32> to vector<16xf32>
        tpu.vector_store_idx %arg5[%add3A_35, %add3A_568], %convert_element_type3A_569 : memref<64x1200xf32, #tpu.memory_space<vmem>>[vector<16xi32>, vector<16xi32>], vector<16xf32>,
        %shift_right_logical3A_570 = arith.constant 3 : i32
        %shift_right_logical3A_571 = vector.broadcast %shift_right_logical3A_570 : i32 to vector<16xi32>
        %shift_right_logical3A_572 = arith.shrui %get3A_549, %shift_right_logical3A_571 : vector<16xi32>
        %and3A_573 = arith.constant 1 : i32
        %and3A_574 = vector.broadcast %and3A_573 : i32 to vector<16xi32>
        %and3A_575 = arith.andi %shift_right_logical3A_572, %and3A_574 : vector<16xi32>
        %add3A_576 = arith.constant 770 : i32
        %add3A_577 = vector.broadcast %add3A_576 : i32 to vector<16xi32>
        %add3A_578 = arith.addi %mul3A_5, %add3A_577 : vector<16xi32>
        %convert_element_type3A_579 = arith.sitofp %and3A_575 : vector<16xi32> to vector<16xf32>
        tpu.vector_store_idx %arg5[%add3A_35, %add3A_578], %convert_element_type3A_579 : memref<64x1200xf32, #tpu.memory_space<vmem>>[vector<16xi32>, vector<16xi32>], vector<16xf32>,
        %shift_right_logical3A_580 = arith.constant 2 : i32
        %shift_right_logical3A_581 = vector.broadcast %shift_right_logical3A_580 : i32 to vector<16xi32>
        %shift_right_logical3A_582 = arith.shrui %get3A_549, %shift_right_logical3A_581 : vector<16xi32>
        %and3A_583 = arith.constant 1 : i32
        %and3A_584 = vector.broadcast %and3A_583 : i32 to vector<16xi32>
        %and3A_585 = arith.andi %shift_right_logical3A_582, %and3A_584 : vector<16xi32>
        %add3A_586 = arith.constant 771 : i32
        %add3A_587 = vector.broadcast %add3A_586 : i32 to vector<16xi32>
        %add3A_588 = arith.addi %mul3A_5, %add3A_587 : vector<16xi32>
        %convert_element_type3A_589 = arith.sitofp %and3A_585 : vector<16xi32> to vector<16xf32>
        tpu.vector_store_idx %arg5[%add3A_35, %add3A_588], %convert_element_type3A_589 : memref<64x1200xf32, #tpu.memory_space<vmem>>[vector<16xi32>, vector<16xi32>], vector<16xf32>,
        %shift_right_logical3A_590 = arith.constant 1 : i32
        %shift_right_logical3A_591 = vector.broadcast %shift_right_logical3A_590 : i32 to vector<16xi32>
        %shift_right_logical3A_592 = arith.shrui %get3A_549, %shift_right_logical3A_591 : vector<16xi32>
        %and3A_593 = arith.constant 1 : i32
        %and3A_594 = vector.broadcast %and3A_593 : i32 to vector<16xi32>
        %and3A_595 = arith.andi %shift_right_logical3A_592, %and3A_594 : vector<16xi32>
        %add3A_596 = arith.constant 772 : i32
        %add3A_597 = vector.broadcast %add3A_596 : i32 to vector<16xi32>
        %add3A_598 = arith.addi %mul3A_5, %add3A_597 : vector<16xi32>
        %convert_element_type3A_599 = arith.sitofp %and3A_595 : vector<16xi32> to vector<16xf32>
        tpu.vector_store_idx %arg5[%add3A_35, %add3A_598], %convert_element_type3A_599 : memref<64x1200xf32, #tpu.memory_space<vmem>>[vector<16xi32>, vector<16xi32>], vector<16xf32>,
        %shift_right_logical3A_600 = arith.constant 0 : i32
        %shift_right_logical3A_601 = vector.broadcast %shift_right_logical3A_600 : i32 to vector<16xi32>
        %shift_right_logical3A_602 = arith.shrui %get3A_549, %shift_right_logical3A_601 : vector<16xi32>
        %and3A_603 = arith.constant 1 : i32
        %and3A_604 = vector.broadcast %and3A_603 : i32 to vector<16xi32>
        %and3A_605 = arith.andi %shift_right_logical3A_602, %and3A_604 : vector<16xi32>
        %add3A_606 = arith.constant 773 : i32
        %add3A_607 = vector.broadcast %add3A_606 : i32 to vector<16xi32>
        %add3A_608 = arith.addi %mul3A_5, %add3A_607 : vector<16xi32>
        %convert_element_type3A_609 = arith.sitofp %and3A_605 : vector<16xi32> to vector<16xf32>
        tpu.vector_store_idx %arg5[%add3A_35, %add3A_608], %convert_element_type3A_609 : memref<64x1200xf32, #tpu.memory_space<vmem>>[vector<16xi32>, vector<16xi32>], vector<16xf32>,
        %add3A_610 = arith.constant 144 : i32
        %add3A_611 = arith.addi %mul3A_37, %add3A_610 : i32
        %get3A_612 = arith.index_cast %add3A_611 : i32 to index
        %get3A_613 = tpu.vector_load %arg4[%get3A_612] {strides = array<i32>} : memref<12816xi32, #tpu.memory_space<vmem>>, vector<16xi32>,
        %shift_right_logical3A_614 = arith.constant 5 : i32
        %shift_right_logical3A_615 = vector.broadcast %shift_right_logical3A_614 : i32 to vector<16xi32>
        %shift_right_logical3A_616 = arith.shrui %get3A_613, %shift_right_logical3A_615 : vector<16xi32>
        %and3A_617 = arith.constant 1 : i32
        %and3A_618 = vector.broadcast %and3A_617 : i32 to vector<16xi32>
        %and3A_619 = arith.andi %shift_right_logical3A_616, %and3A_618 : vector<16xi32>
        %add3A_620 = arith.constant 864 : i32
        %add3A_621 = vector.broadcast %add3A_620 : i32 to vector<16xi32>
        %add3A_622 = arith.addi %mul3A_5, %add3A_621 : vector<16xi32>
        %convert_element_type3A_623 = arith.sitofp %and3A_619 : vector<16xi32> to vector<16xf32>
        tpu.vector_store_idx %arg5[%add3A_35, %add3A_622], %convert_element_type3A_623 : memref<64x1200xf32, #tpu.memory_space<vmem>>[vector<16xi32>, vector<16xi32>], vector<16xf32>,
        %shift_right_logical3A_624 = arith.constant 4 : i32
        %shift_right_logical3A_625 = vector.broadcast %shift_right_logical3A_624 : i32 to vector<16xi32>
        %shift_right_logical3A_626 = arith.shrui %get3A_613, %shift_right_logical3A_625 : vector<16xi32>
        %and3A_627 = arith.constant 1 : i32
        %and3A_628 = vector.broadcast %and3A_627 : i32 to vector<16xi32>
        %and3A_629 = arith.andi %shift_right_logical3A_626, %and3A_628 : vector<16xi32>
        %add3A_630 = arith.constant 865 : i32
        %add3A_631 = vector.broadcast %add3A_630 : i32 to vector<16xi32>
        %add3A_632 = arith.addi %mul3A_5, %add3A_631 : vector<16xi32>
        %convert_element_type3A_633 = arith.sitofp %and3A_629 : vector<16xi32> to vector<16xf32>
        tpu.vector_store_idx %arg5[%add3A_35, %add3A_632], %convert_element_type3A_633 : memref<64x1200xf32, #tpu.memory_space<vmem>>[vector<16xi32>, vector<16xi32>], vector<16xf32>,
        %shift_right_logical3A_634 = arith.constant 3 : i32
        %shift_right_logical3A_635 = vector.broadcast %shift_right_logical3A_634 : i32 to vector<16xi32>
        %shift_right_logical3A_636 = arith.shrui %get3A_613, %shift_right_logical3A_635 : vector<16xi32>
        %and3A_637 = arith.constant 1 : i32
        %and3A_638 = vector.broadcast %and3A_637 : i32 to vector<16xi32>
        %and3A_639 = arith.andi %shift_right_logical3A_636, %and3A_638 : vector<16xi32>
        %add3A_640 = arith.constant 866 : i32
        %add3A_641 = vector.broadcast %add3A_640 : i32 to vector<16xi32>
        %add3A_642 = arith.addi %mul3A_5, %add3A_641 : vector<16xi32>
        %convert_element_type3A_643 = arith.sitofp %and3A_639 : vector<16xi32> to vector<16xf32>
        tpu.vector_store_idx %arg5[%add3A_35, %add3A_642], %convert_element_type3A_643 : memref<64x1200xf32, #tpu.memory_space<vmem>>[vector<16xi32>, vector<16xi32>], vector<16xf32>,
        %shift_right_logical3A_644 = arith.constant 2 : i32
        %shift_right_logical3A_645 = vector.broadcast %shift_right_logical3A_644 : i32 to vector<16xi32>
        %shift_right_logical3A_646 = arith.shrui %get3A_613, %shift_right_logical3A_645 : vector<16xi32>
        %and3A_647 = arith.constant 1 : i32
        %and3A_648 = vector.broadcast %and3A_647 : i32 to vector<16xi32>
        %and3A_649 = arith.andi %shift_right_logical3A_646, %and3A_648 : vector<16xi32>
        %add3A_650 = arith.constant 867 : i32
        %add3A_651 = vector.broadcast %add3A_650 : i32 to vector<16xi32>
        %add3A_652 = arith.addi %mul3A_5, %add3A_651 : vector<16xi32>
        %convert_element_type3A_653 = arith.sitofp %and3A_649 : vector<16xi32> to vector<16xf32>
        tpu.vector_store_idx %arg5[%add3A_35, %add3A_652], %convert_element_type3A_653 : memref<64x1200xf32, #tpu.memory_space<vmem>>[vector<16xi32>, vector<16xi32>], vector<16xf32>,
        %shift_right_logical3A_654 = arith.constant 1 : i32
        %shift_right_logical3A_655 = vector.broadcast %shift_right_logical3A_654 : i32 to vector<16xi32>
        %shift_right_logical3A_656 = arith.shrui %get3A_613, %shift_right_logical3A_655 : vector<16xi32>
        %and3A_657 = arith.constant 1 : i32
        %and3A_658 = vector.broadcast %and3A_657 : i32 to vector<16xi32>
        %and3A_659 = arith.andi %shift_right_logical3A_656, %and3A_658 : vector<16xi32>
        %add3A_660 = arith.constant 868 : i32
        %add3A_661 = vector.broadcast %add3A_660 : i32 to vector<16xi32>
        %add3A_662 = arith.addi %mul3A_5, %add3A_661 : vector<16xi32>
        %convert_element_type3A_663 = arith.sitofp %and3A_659 : vector<16xi32> to vector<16xf32>
        tpu.vector_store_idx %arg5[%add3A_35, %add3A_662], %convert_element_type3A_663 : memref<64x1200xf32, #tpu.memory_space<vmem>>[vector<16xi32>, vector<16xi32>], vector<16xf32>,
        %shift_right_logical3A_664 = arith.constant 0 : i32
        %shift_right_logical3A_665 = vector.broadcast %shift_right_logical3A_664 : i32 to vector<16xi32>
        %shift_right_logical3A_666 = arith.shrui %get3A_613, %shift_right_logical3A_665 : vector<16xi32>
        %and3A_667 = arith.constant 1 : i32
        %and3A_668 = vector.broadcast %and3A_667 : i32 to vector<16xi32>
        %and3A_669 = arith.andi %shift_right_logical3A_666, %and3A_668 : vector<16xi32>
        %add3A_670 = arith.constant 869 : i32
        %add3A_671 = vector.broadcast %add3A_670 : i32 to vector<16xi32>
        %add3A_672 = arith.addi %mul3A_5, %add3A_671 : vector<16xi32>
        %convert_element_type3A_673 = arith.sitofp %and3A_669 : vector<16xi32> to vector<16xf32>
        tpu.vector_store_idx %arg5[%add3A_35, %add3A_672], %convert_element_type3A_673 : memref<64x1200xf32, #tpu.memory_space<vmem>>[vector<16xi32>, vector<16xi32>], vector<16xf32>,
        %add3A_674 = arith.constant 160 : i32
        %add3A_675 = arith.addi %mul3A_37, %add3A_674 : i32
        %get3A_676 = arith.index_cast %add3A_675 : i32 to index
        %get3A_677 = tpu.vector_load %arg4[%get3A_676] {strides = array<i32>} : memref<12816xi32, #tpu.memory_space<vmem>>, vector<16xi32>,
        %shift_right_logical3A_678 = arith.constant 5 : i32
        %shift_right_logical3A_679 = vector.broadcast %shift_right_logical3A_678 : i32 to vector<16xi32>
        %shift_right_logical3A_680 = arith.shrui %get3A_677, %shift_right_logical3A_679 : vector<16xi32>
        %and3A_681 = arith.constant 1 : i32
        %and3A_682 = vector.broadcast %and3A_681 : i32 to vector<16xi32>
        %and3A_683 = arith.andi %shift_right_logical3A_680, %and3A_682 : vector<16xi32>
        %add3A_684 = arith.constant 960 : i32
        %add3A_685 = vector.broadcast %add3A_684 : i32 to vector<16xi32>
        %add3A_686 = arith.addi %mul3A_5, %add3A_685 : vector<16xi32>
        %convert_element_type3A_687 = arith.sitofp %and3A_683 : vector<16xi32> to vector<16xf32>
        tpu.vector_store_idx %arg5[%add3A_35, %add3A_686], %convert_element_type3A_687 : memref<64x1200xf32, #tpu.memory_space<vmem>>[vector<16xi32>, vector<16xi32>], vector<16xf32>,
        %shift_right_logical3A_688 = arith.constant 4 : i32
        %shift_right_logical3A_689 = vector.broadcast %shift_right_logical3A_688 : i32 to vector<16xi32>
        %shift_right_logical3A_690 = arith.shrui %get3A_677, %shift_right_logical3A_689 : vector<16xi32>
        %and3A_691 = arith.constant 1 : i32
        %and3A_692 = vector.broadcast %and3A_691 : i32 to vector<16xi32>
        %and3A_693 = arith.andi %shift_right_logical3A_690, %and3A_692 : vector<16xi32>
        %add3A_694 = arith.constant 961 : i32
        %add3A_695 = vector.broadcast %add3A_694 : i32 to vector<16xi32>
        %add3A_696 = arith.addi %mul3A_5, %add3A_695 : vector<16xi32>
        %convert_element_type3A_697 = arith.sitofp %and3A_693 : vector<16xi32> to vector<16xf32>
        tpu.vector_store_idx %arg5[%add3A_35, %add3A_696], %convert_element_type3A_697 : memref<64x1200xf32, #tpu.memory_space<vmem>>[vector<16xi32>, vector<16xi32>], vector<16xf32>,
        %shift_right_logical3A_698 = arith.constant 3 : i32
        %shift_right_logical3A_699 = vector.broadcast %shift_right_logical3A_698 : i32 to vector<16xi32>
        %shift_right_logical3A_700 = arith.shrui %get3A_677, %shift_right_logical3A_699 : vector<16xi32>
        %and3A_701 = arith.constant 1 : i32
        %and3A_702 = vector.broadcast %and3A_701 : i32 to vector<16xi32>
        %and3A_703 = arith.andi %shift_right_logical3A_700, %and3A_702 : vector<16xi32>
        %add3A_704 = arith.constant 962 : i32
        %add3A_705 = vector.broadcast %add3A_704 : i32 to vector<16xi32>
        %add3A_706 = arith.addi %mul3A_5, %add3A_705 : vector<16xi32>
        %convert_element_type3A_707 = arith.sitofp %and3A_703 : vector<16xi32> to vector<16xf32>
        tpu.vector_store_idx %arg5[%add3A_35, %add3A_706], %convert_element_type3A_707 : memref<64x1200xf32, #tpu.memory_space<vmem>>[vector<16xi32>, vector<16xi32>], vector<16xf32>,
        %shift_right_logical3A_708 = arith.constant 2 : i32
        %shift_right_logical3A_709 = vector.broadcast %shift_right_logical3A_708 : i32 to vector<16xi32>
        %shift_right_logical3A_710 = arith.shrui %get3A_677, %shift_right_logical3A_709 : vector<16xi32>
        %and3A_711 = arith.constant 1 : i32
        %and3A_712 = vector.broadcast %and3A_711 : i32 to vector<16xi32>
        %and3A_713 = arith.andi %shift_right_logical3A_710, %and3A_712 : vector<16xi32>
        %add3A_714 = arith.constant 963 : i32
        %add3A_715 = vector.broadcast %add3A_714 : i32 to vector<16xi32>
        %add3A_716 = arith.addi %mul3A_5, %add3A_715 : vector<16xi32>
        %convert_element_type3A_717 = arith.sitofp %and3A_713 : vector<16xi32> to vector<16xf32>
        tpu.vector_store_idx %arg5[%add3A_35, %add3A_716], %convert_element_type3A_717 : memref<64x1200xf32, #tpu.memory_space<vmem>>[vector<16xi32>, vector<16xi32>], vector<16xf32>,
        %shift_right_logical3A_718 = arith.constant 1 : i32
        %shift_right_logical3A_719 = vector.broadcast %shift_right_logical3A_718 : i32 to vector<16xi32>
        %shift_right_logical3A_720 = arith.shrui %get3A_677, %shift_right_logical3A_719 : vector<16xi32>
        %and3A_721 = arith.constant 1 : i32
        %and3A_722 = vector.broadcast %and3A_721 : i32 to vector<16xi32>
        %and3A_723 = arith.andi %shift_right_logical3A_720, %and3A_722 : vector<16xi32>
        %add3A_724 = arith.constant 964 : i32
        %add3A_725 = vector.broadcast %add3A_724 : i32 to vector<16xi32>
        %add3A_726 = arith.addi %mul3A_5, %add3A_725 : vector<16xi32>
        %convert_element_type3A_727 = arith.sitofp %and3A_723 : vector<16xi32> to vector<16xf32>
        tpu.vector_store_idx %arg5[%add3A_35, %add3A_726], %convert_element_type3A_727 : memref<64x1200xf32, #tpu.memory_space<vmem>>[vector<16xi32>, vector<16xi32>], vector<16xf32>,
        %shift_right_logical3A_728 = arith.constant 0 : i32
        %shift_right_logical3A_729 = vector.broadcast %shift_right_logical3A_728 : i32 to vector<16xi32>
        %shift_right_logical3A_730 = arith.shrui %get3A_677, %shift_right_logical3A_729 : vector<16xi32>
        %and3A_731 = arith.constant 1 : i32
        %and3A_732 = vector.broadcast %and3A_731 : i32 to vector<16xi32>
        %and3A_733 = arith.andi %shift_right_logical3A_730, %and3A_732 : vector<16xi32>
        %add3A_734 = arith.constant 965 : i32
        %add3A_735 = vector.broadcast %add3A_734 : i32 to vector<16xi32>
        %add3A_736 = arith.addi %mul3A_5, %add3A_735 : vector<16xi32>
        %convert_element_type3A_737 = arith.sitofp %and3A_733 : vector<16xi32> to vector<16xf32>
        tpu.vector_store_idx %arg5[%add3A_35, %add3A_736], %convert_element_type3A_737 : memref<64x1200xf32, #tpu.memory_space<vmem>>[vector<16xi32>, vector<16xi32>], vector<16xf32>,
        %add3A_738 = arith.constant 176 : i32
        %add3A_739 = arith.addi %mul3A_37, %add3A_738 : i32
        %get3A_740 = arith.index_cast %add3A_739 : i32 to index
        %get3A_741 = tpu.vector_load %arg4[%get3A_740] {strides = array<i32>} : memref<12816xi32, #tpu.memory_space<vmem>>, vector<16xi32>,
        %shift_right_logical3A_742 = arith.constant 5 : i32
        %shift_right_logical3A_743 = vector.broadcast %shift_right_logical3A_742 : i32 to vector<16xi32>
        %shift_right_logical3A_744 = arith.shrui %get3A_741, %shift_right_logical3A_743 : vector<16xi32>
        %and3A_745 = arith.constant 1 : i32
        %and3A_746 = vector.broadcast %and3A_745 : i32 to vector<16xi32>
        %and3A_747 = arith.andi %shift_right_logical3A_744, %and3A_746 : vector<16xi32>
        %add3A_748 = arith.constant 1056 : i32
        %add3A_749 = vector.broadcast %add3A_748 : i32 to vector<16xi32>
        %add3A_750 = arith.addi %mul3A_5, %add3A_749 : vector<16xi32>
        %convert_element_type3A_751 = arith.sitofp %and3A_747 : vector<16xi32> to vector<16xf32>
        tpu.vector_store_idx %arg5[%add3A_35, %add3A_750], %convert_element_type3A_751 : memref<64x1200xf32, #tpu.memory_space<vmem>>[vector<16xi32>, vector<16xi32>], vector<16xf32>,
        %shift_right_logical3A_752 = arith.constant 4 : i32
        %shift_right_logical3A_753 = vector.broadcast %shift_right_logical3A_752 : i32 to vector<16xi32>
        %shift_right_logical3A_754 = arith.shrui %get3A_741, %shift_right_logical3A_753 : vector<16xi32>
        %and3A_755 = arith.constant 1 : i32
        %and3A_756 = vector.broadcast %and3A_755 : i32 to vector<16xi32>
        %and3A_757 = arith.andi %shift_right_logical3A_754, %and3A_756 : vector<16xi32>
        %add3A_758 = arith.constant 1057 : i32
        %add3A_759 = vector.broadcast %add3A_758 : i32 to vector<16xi32>
        %add3A_760 = arith.addi %mul3A_5, %add3A_759 : vector<16xi32>
        %convert_element_type3A_761 = arith.sitofp %and3A_757 : vector<16xi32> to vector<16xf32>
        tpu.vector_store_idx %arg5[%add3A_35, %add3A_760], %convert_element_type3A_761 : memref<64x1200xf32, #tpu.memory_space<vmem>>[vector<16xi32>, vector<16xi32>], vector<16xf32>,
        %shift_right_logical3A_762 = arith.constant 3 : i32
        %shift_right_logical3A_763 = vector.broadcast %shift_right_logical3A_762 : i32 to vector<16xi32>
        %shift_right_logical3A_764 = arith.shrui %get3A_741, %shift_right_logical3A_763 : vector<16xi32>
        %and3A_765 = arith.constant 1 : i32
        %and3A_766 = vector.broadcast %and3A_765 : i32 to vector<16xi32>
        %and3A_767 = arith.andi %shift_right_logical3A_764, %and3A_766 : vector<16xi32>
        %add3A_768 = arith.constant 1058 : i32
        %add3A_769 = vector.broadcast %add3A_768 : i32 to vector<16xi32>
        %add3A_770 = arith.addi %mul3A_5, %add3A_769 : vector<16xi32>
        %convert_element_type3A_771 = arith.sitofp %and3A_767 : vector<16xi32> to vector<16xf32>
        tpu.vector_store_idx %arg5[%add3A_35, %add3A_770], %convert_element_type3A_771 : memref<64x1200xf32, #tpu.memory_space<vmem>>[vector<16xi32>, vector<16xi32>], vector<16xf32>,
        %shift_right_logical3A_772 = arith.constant 2 : i32
        %shift_right_logical3A_773 = vector.broadcast %shift_right_logical3A_772 : i32 to vector<16xi32>
        %shift_right_logical3A_774 = arith.shrui %get3A_741, %shift_right_logical3A_773 : vector<16xi32>
        %and3A_775 = arith.constant 1 : i32
        %and3A_776 = vector.broadcast %and3A_775 : i32 to vector<16xi32>
        %and3A_777 = arith.andi %shift_right_logical3A_774, %and3A_776 : vector<16xi32>
        %add3A_778 = arith.constant 1059 : i32
        %add3A_779 = vector.broadcast %add3A_778 : i32 to vector<16xi32>
        %add3A_780 = arith.addi %mul3A_5, %add3A_779 : vector<16xi32>
        %convert_element_type3A_781 = arith.sitofp %and3A_777 : vector<16xi32> to vector<16xf32>
        tpu.vector_store_idx %arg5[%add3A_35, %add3A_780], %convert_element_type3A_781 : memref<64x1200xf32, #tpu.memory_space<vmem>>[vector<16xi32>, vector<16xi32>], vector<16xf32>,
        %shift_right_logical3A_782 = arith.constant 1 : i32
        %shift_right_logical3A_783 = vector.broadcast %shift_right_logical3A_782 : i32 to vector<16xi32>
        %shift_right_logical3A_784 = arith.shrui %get3A_741, %shift_right_logical3A_783 : vector<16xi32>
        %and3A_785 = arith.constant 1 : i32
        %and3A_786 = vector.broadcast %and3A_785 : i32 to vector<16xi32>
        %and3A_787 = arith.andi %shift_right_logical3A_784, %and3A_786 : vector<16xi32>
        %add3A_788 = arith.constant 1060 : i32
        %add3A_789 = vector.broadcast %add3A_788 : i32 to vector<16xi32>
        %add3A_790 = arith.addi %mul3A_5, %add3A_789 : vector<16xi32>
        %convert_element_type3A_791 = arith.sitofp %and3A_787 : vector<16xi32> to vector<16xf32>
        tpu.vector_store_idx %arg5[%add3A_35, %add3A_790], %convert_element_type3A_791 : memref<64x1200xf32, #tpu.memory_space<vmem>>[vector<16xi32>, vector<16xi32>], vector<16xf32>,
        %shift_right_logical3A_792 = arith.constant 0 : i32
        %shift_right_logical3A_793 = vector.broadcast %shift_right_logical3A_792 : i32 to vector<16xi32>
        %shift_right_logical3A_794 = arith.shrui %get3A_741, %shift_right_logical3A_793 : vector<16xi32>
        %and3A_795 = arith.constant 1 : i32
        %and3A_796 = vector.broadcast %and3A_795 : i32 to vector<16xi32>
        %and3A_797 = arith.andi %shift_right_logical3A_794, %and3A_796 : vector<16xi32>
        %add3A_798 = arith.constant 1061 : i32
        %add3A_799 = vector.broadcast %add3A_798 : i32 to vector<16xi32>
        %add3A_800 = arith.addi %mul3A_5, %add3A_799 : vector<16xi32>
        %convert_element_type3A_801 = arith.sitofp %and3A_797 : vector<16xi32> to vector<16xf32>
        tpu.vector_store_idx %arg5[%add3A_35, %add3A_800], %convert_element_type3A_801 : memref<64x1200xf32, #tpu.memory_space<vmem>>[vector<16xi32>, vector<16xi32>], vector<16xf32>,
        %add3A_802 = arith.constant 192 : i32
        %add3A_803 = arith.addi %mul3A_37, %add3A_802 : i32
        %get3A_804 = arith.index_cast %add3A_803 : i32 to index
        %get3A_805 = tpu.vector_load %arg4[%get3A_804] {strides = array<i32>} : memref<12816xi32, #tpu.memory_space<vmem>>, vector<16xi32>,
        %shift_right_logical3A_806 = arith.constant 5 : i32
        %shift_right_logical3A_807 = vector.broadcast %shift_right_logical3A_806 : i32 to vector<16xi32>
        %shift_right_logical3A_808 = arith.shrui %get3A_805, %shift_right_logical3A_807 : vector<16xi32>
        %and3A_809 = arith.constant 1 : i32
        %and3A_810 = vector.broadcast %and3A_809 : i32 to vector<16xi32>
        %and3A_811 = arith.andi %shift_right_logical3A_808, %and3A_810 : vector<16xi32>
        %add3A_812 = arith.constant 1152 : i32
        %add3A_813 = vector.broadcast %add3A_812 : i32 to vector<16xi32>
        %add3A_814 = arith.addi %mul3A_5, %add3A_813 : vector<16xi32>
        %convert_element_type3A_815 = arith.sitofp %and3A_811 : vector<16xi32> to vector<16xf32>
        tpu.vector_store_idx %arg5[%add3A_35, %add3A_814], %convert_element_type3A_815 masked %lt3A_7 : memref<64x1200xf32, #tpu.memory_space<vmem>>[vector<16xi32>, vector<16xi32>], vector<16xf32>, vector<16xi1>
        %shift_right_logical3A_816 = arith.constant 4 : i32
        %shift_right_logical3A_817 = vector.broadcast %shift_right_logical3A_816 : i32 to vector<16xi32>
        %shift_right_logical3A_818 = arith.shrui %get3A_805, %shift_right_logical3A_817 : vector<16xi32>
        %and3A_819 = arith.constant 1 : i32
        %and3A_820 = vector.broadcast %and3A_819 : i32 to vector<16xi32>
        %and3A_821 = arith.andi %shift_right_logical3A_818, %and3A_820 : vector<16xi32>
        %add3A_822 = arith.constant 1153 : i32
        %add3A_823 = vector.broadcast %add3A_822 : i32 to vector<16xi32>
        %add3A_824 = arith.addi %mul3A_5, %add3A_823 : vector<16xi32>
        %convert_element_type3A_825 = arith.sitofp %and3A_821 : vector<16xi32> to vector<16xf32>
        tpu.vector_store_idx %arg5[%add3A_35, %add3A_824], %convert_element_type3A_825 masked %lt3A_7 : memref<64x1200xf32, #tpu.memory_space<vmem>>[vector<16xi32>, vector<16xi32>], vector<16xf32>, vector<16xi1>
        %shift_right_logical3A_826 = arith.constant 3 : i32
        %shift_right_logical3A_827 = vector.broadcast %shift_right_logical3A_826 : i32 to vector<16xi32>
        %shift_right_logical3A_828 = arith.shrui %get3A_805, %shift_right_logical3A_827 : vector<16xi32>
        %and3A_829 = arith.constant 1 : i32
        %and3A_830 = vector.broadcast %and3A_829 : i32 to vector<16xi32>
        %and3A_831 = arith.andi %shift_right_logical3A_828, %and3A_830 : vector<16xi32>
        %add3A_832 = arith.constant 1154 : i32
        %add3A_833 = vector.broadcast %add3A_832 : i32 to vector<16xi32>
        %add3A_834 = arith.addi %mul3A_5, %add3A_833 : vector<16xi32>
        %convert_element_type3A_835 = arith.sitofp %and3A_831 : vector<16xi32> to vector<16xf32>
        tpu.vector_store_idx %arg5[%add3A_35, %add3A_834], %convert_element_type3A_835 masked %lt3A_7 : memref<64x1200xf32, #tpu.memory_space<vmem>>[vector<16xi32>, vector<16xi32>], vector<16xf32>, vector<16xi1>
        %shift_right_logical3A_836 = arith.constant 2 : i32
        %shift_right_logical3A_837 = vector.broadcast %shift_right_logical3A_836 : i32 to vector<16xi32>
        %shift_right_logical3A_838 = arith.shrui %get3A_805, %shift_right_logical3A_837 : vector<16xi32>
        %and3A_839 = arith.constant 1 : i32
        %and3A_840 = vector.broadcast %and3A_839 : i32 to vector<16xi32>
        %and3A_841 = arith.andi %shift_right_logical3A_838, %and3A_840 : vector<16xi32>
        %add3A_842 = arith.constant 1155 : i32
        %add3A_843 = vector.broadcast %add3A_842 : i32 to vector<16xi32>
        %add3A_844 = arith.addi %mul3A_5, %add3A_843 : vector<16xi32>
        %convert_element_type3A_845 = arith.sitofp %and3A_841 : vector<16xi32> to vector<16xf32>
        tpu.vector_store_idx %arg5[%add3A_35, %add3A_844], %convert_element_type3A_845 masked %lt3A_7 : memref<64x1200xf32, #tpu.memory_space<vmem>>[vector<16xi32>, vector<16xi32>], vector<16xf32>, vector<16xi1>
        %shift_right_logical3A_846 = arith.constant 1 : i32
        %shift_right_logical3A_847 = vector.broadcast %shift_right_logical3A_846 : i32 to vector<16xi32>
        %shift_right_logical3A_848 = arith.shrui %get3A_805, %shift_right_logical3A_847 : vector<16xi32>
        %and3A_849 = arith.constant 1 : i32
        %and3A_850 = vector.broadcast %and3A_849 : i32 to vector<16xi32>
        %and3A_851 = arith.andi %shift_right_logical3A_848, %and3A_850 : vector<16xi32>
        %add3A_852 = arith.constant 1156 : i32
        %add3A_853 = vector.broadcast %add3A_852 : i32 to vector<16xi32>
        %add3A_854 = arith.addi %mul3A_5, %add3A_853 : vector<16xi32>
        %convert_element_type3A_855 = arith.sitofp %and3A_851 : vector<16xi32> to vector<16xf32>
        tpu.vector_store_idx %arg5[%add3A_35, %add3A_854], %convert_element_type3A_855 masked %lt3A_7 : memref<64x1200xf32, #tpu.memory_space<vmem>>[vector<16xi32>, vector<16xi32>], vector<16xf32>, vector<16xi1>
        %shift_right_logical3A_856 = arith.constant 0 : i32
        %shift_right_logical3A_857 = vector.broadcast %shift_right_logical3A_856 : i32 to vector<16xi32>
        %shift_right_logical3A_858 = arith.shrui %get3A_805, %shift_right_logical3A_857 : vector<16xi32>
        %and3A_859 = arith.constant 1 : i32
        %and3A_860 = vector.broadcast %and3A_859 : i32 to vector<16xi32>
        %and3A_861 = arith.andi %shift_right_logical3A_858, %and3A_860 : vector<16xi32>
        %add3A_862 = arith.constant 1157 : i32
        %add3A_863 = vector.broadcast %add3A_862 : i32 to vector<16xi32>
        %add3A_864 = arith.addi %mul3A_5, %add3A_863 : vector<16xi32>
        %convert_element_type3A_865 = arith.sitofp %and3A_861 : vector<16xi32> to vector<16xf32>
        tpu.vector_store_idx %arg5[%add3A_35, %add3A_864], %convert_element_type3A_865 masked %lt3A_7 : memref<64x1200xf32, #tpu.memory_space<vmem>>[vector<16xi32>, vector<16xi32>], vector<16xf32>, vector<16xi1>
        %scan3A_866 = arith.constant 0 : i32
        scf.yield %scan3A_866 : i32
      }
      %scan3A_27 = arith.constant 64 : i32
      "tpu.region"() ({
        %run_scoped3A = tpu.sem_alloc : memref<!tpu.dma_semaphore, #tpu.memory_space<semaphore_mem>>
        %dma_start3A = arith.constant 0 : i32
        %dma_start3A_29 = tpu.memref_slice %arg3[%add3A_18, %dma_start3A] : memref<16384x1200xf32, #tpu.memory_space<hbm>> -> memref<64x1200xf32, #tpu.memory_space<hbm>>
        %dma_start3A_30 = arith.constant 0 : i32
        %dma_start3A_31 = tpu.memref_slice %arg3[%add3A_18, %dma_start3A_30] : memref<16384x1200xf32, #tpu.memory_space<hbm>> -> memref<64x1200xf32, #tpu.memory_space<hbm>>
        tpu.enqueue_dma source(%arg5 : memref<64x1200xf32, #tpu.memory_space<vmem>>) target(%dma_start3A_31 : memref<64x1200xf32, #tpu.memory_space<hbm>>) target_semaphore(%run_scoped3A : memref<!tpu.dma_semaphore, #tpu.memory_space<semaphore_mem>>)
        %dma_wait3A = arith.constant 0 : i32
        %dma_wait3A_32 = tpu.memref_slice %arg3[%add3A_18, %dma_wait3A] : memref<16384x1200xf32, #tpu.memory_space<hbm>> -> memref<64x1200xf32, #tpu.memory_space<hbm>>
        %dma_wait3A_33 = arith.constant 0 : i32
        %dma_wait3A_34 = tpu.memref_slice %arg3[%add3A_18, %dma_wait3A_33] : memref<16384x1200xf32, #tpu.memory_space<hbm>> -> memref<64x1200xf32, #tpu.memory_space<hbm>>
        tpu.wait_dma2 semaphore(%run_scoped3A : memref<!tpu.dma_semaphore, #tpu.memory_space<semaphore_mem>>) src(%arg5 : memref<64x1200xf32, #tpu.memory_space<vmem>>) dst(%dma_wait3A_34 : memref<64x1200xf32, #tpu.memory_space<hbm>>)
        tpu.yield
      }) : () -> ()
      %scan3A_28 = arith.constant 0 : i32
      scf.yield %scan3A_28 : i32
    }
    %scan3A_13 = arith.constant 8 : i32
    return
  }
}

</mosaic_0001>

<sc_bundles>
// kernel: kernel.3.cloned.1.call-start
scs
__scs_entry_jumppad:
0x0: {  	(pc) =	sbr.rel $0x88, $3  }
0x1: {  	(tag) =	ssettag $0x0;
	lr =	simm.s32 $0x1  }
0x2: {  	[smem:$0x3FA0] =	sst lr;
	_ =	strace $0xD0000000  }
0x3: {  	_ = 	snop  }
0x4: {  	_ = 	snop  }
0x5: {  	_ = 	snop  }
0x6: {  	_ = 	snop  }
0x7: {  	_ = 	snop  }
__scs_overlays_trampoline_lowered:
0x8: {  	[smem:$0x3FAF] =	sst s0  }
0x9: {  	[smem:$0x3FB0] =	sst s1  }
0xa: {  	[smem:$0x3FB1] =	sst s2  }
0xb: {  	[smem:$0x3FB2] =	sst s3  }
0xc: {  	[smem:$0x3FB3] =	sst s4  }
0xd: {  	[smem:$0x3FB4] =	sst s5  }
0xe: {  	[smem:$0x3FB5] =	sst s6  }
0xf: {  	[smem:$0x3FB6] =	sst s7  }
0x10: {  	[smem:$0x3FB7] =	sst s8  }
0x11: {  	[smem:$0x3FB8] =	sst s9;
	s0 =	simm.s32 @!p0 $0x0  }
0x12: {  	s1 =	sld [smem:$0x3F9E];
	s0 =	simm.s32 @p0 $0x1  }
0x13: {  	[smem:$0x3FB9] =	sst s0;
	s0 =	simm.s32 @!p1 $0x0  }
0x14: {  	s2 =	sld [smem:$0x3F9D];
	s0 =	simm.s32 @p1 $0x1  }
0x15: {  	[smem:$0x3FBA] =	sst s0;
	s0 =	simm.s32 @!p2 $0x0  }
0x16: {  	s3 =	sld [smem:$0x3FDB];
	s0 =	simm.s32 @p2 $0x1  }
0x17: {  	s4 =	simm.s32 $0x1BF5;
	[smem:$0x3FBC] =	sst s0  }
0x18: {  	s0 =	sld [smem:$0x3F9F];
	_ =	swait.ge [sflag:s4], $0x0  }
0x19: {  	s7 =	sld [smem:$0x3FA0]  }
0x1a: {  	s8 =	sadd.s32 $0xFFFFE003, lr  }
0x1b: {  	s9 =	sadd.s32 $0xFFFFFEF7, lr;
	s5 =	simm.s32 $0xFFFFFFFF;
	p2 =	slt.u32 s8, $0xFFFFF086  }
0x1c: {  	p1 =	slt.u32 s9, $0xF7A;
	s5 =	simm.s32 @!p2 $0x0  }
0x1d: {  	s5 =	simm.s32 @p1 $0x1;
	p0 =	seq.s32 s7, s2  }
0x1e: {  	s7 =	smul.u32 @!p0 $0xF7A, s2;
	p2 =	seq.s32 @!p0 s5, $0x0  }
0x1f: {  	s9 =	smul.u32 $0xF7A, s1;
	s8 =	simm.s32 @!p0 $0x1BF5;
	p2 =	por !p2, p0  }
0x20: {  	[sflag:s8] =	ssyncset.s32 @!p0 $0xFFFFF086;
	s6 =	sadd.s32 @!p0 s3, s7;
	s7 =	simm.s32 @!p0 $0x108  }
0x21: {  	s3 =	sadd.s32 s3, s9;
	s6 =	sadd.s32 @!p0 $0x88, s6;
	s7 =	simm.s32 @p2 $0x1082  }
0x22: {  	[simem:s7], [sflag:s8] =	dma.local @!p0 [hbm:s6], $0xF7A  }
0x23: {  	s9 =	sor.u32 $0xD0000000, s2;
	s6 =	simm.s32 $0x108;
	_ =	swait.ge @!p0 [sflag:s8], $0x0  }
0x24: {  	s3 =	sadd.s32 $0x88, s3;
	s6 =	simm.s32 @!p1 $0x1082;
	[sflag:s4] =	ssyncset.s32 $0xFFFFF086  }
0x25: {  	[simem:s6], [sflag:s4] =	dma.local [hbm:s3], $0xF7A  }
0x26: {  	[smem:$0x3FA0] =	sst s1;
	(tag) =	ssettag s2;
	_ =	strace s9  }
0x27: {  	s1 =	sld [smem:$0x3FB0]  }
0x28: {  	s2 =	sld [smem:$0x3FB1]  }
0x29: {  	s4 =	sld [smem:$0x3FB3]  }
0x2a: {  	p0 =	seq.s32 s5, $0x0;
	s5 =	sld [smem:$0x3FB4]  }
0x2b: {  	s6 =	sld [smem:$0x3FB5]  }
0x2c: {  	s7 =	sld [smem:$0x3FB6]  }
0x2d: {  	s3 =	simm.s32 $0x108;
	s8 =	sld [smem:$0x3FB7]  }
0x2e: {  	s3 =	simm.s32 @!p0 $0x1082;
	s9 =	sld [smem:$0x3FB8]  }
0x2f: {  	lr =	sadd.s32 s0, s3;
	s0 =	sld [smem:$0x3FAF]  }
0x30: {  	s3 =	sld [smem:$0x3FB2]  }
0x31: {  	[smem:$0x3FBB] =	sst s10  }
0x32: {  	s10 =	sld [smem:$0x3FB9];
	_ =	sdelay $0x3  }
0x33: {  	p0 =	seq.s32 s10, $0x1;
	s10 =	sld [smem:$0x3FBB];
	_ =	sdelay $0x3  }
0x34: {  	[smem:$0x3FBB] =	sst s10  }
0x35: {  	s10 =	sld [smem:$0x3FBA];
	_ =	sdelay $0x3  }
0x36: {  	p1 =	seq.s32 s10, $0x1;
	s10 =	sld [smem:$0x3FBB];
	_ =	sdelay $0x3  }
0x37: {  	[smem:$0x3FBB] =	sst s10  }
0x38: {  	s10 =	sld [smem:$0x3FBC]  }
0x39: {  	_ = 	snop;
	(pc) =	sbr.ind lr, $3  }
0x3a: {  	_ = 	snop  }
0x3b: {  	_ = 	snop  }
0x3c: {  	p2 =	seq.s32 s10, $0x1;
	s10 =	sld [smem:$0x3FBB]  }
0x3d: {  	_ =	shalt  }
0x3e: {  	_ =	shalt  }
0x3f: {  	_ =	shalt  }
0x40: {  	_ =	shalt  }
0x41: {  	_ =	shalt  }
0x42: {  	_ =	shalt  }
0x43: {  	_ =	shalt  }
0x44: {  	_ =	shalt  }
0x45: {  	_ =	shalt  }
0x46: {  	_ =	shalt  }
0x47: {  	_ =	shalt  }
0x48: {  	_ =	shalt  }
0x49: {  	_ =	shalt  }
0x4a: {  	_ =	shalt  }
0x4b: {  	_ =	shalt  }
0x4c: {  	_ =	shalt  }
0x4d: {  	_ =	shalt  }
0x4e: {  	_ =	shalt  }
0x4f: {  	_ =	shalt  }
0x50: {  	_ =	shalt  }
0x51: {  	_ =	shalt  }
0x52: {  	_ =	shalt  }
0x53: {  	_ =	shalt  }
0x54: {  	_ =	shalt  }
0x55: {  	_ =	shalt  }
0x56: {  	_ =	shalt  }
0x57: {  	_ =	shalt  }
0x58: {  	_ =	shalt  }
0x59: {  	_ =	shalt  }
0x5a: {  	_ =	shalt  }
0x5b: {  	_ =	shalt  }
0x5c: {  	_ =	shalt  }
0x5d: {  	_ =	shalt  }
0x5e: {  	_ =	shalt  }
0x5f: {  	_ =	shalt  }
0x60: {  	_ =	shalt  }
0x61: {  	_ =	shalt  }
0x62: {  	_ =	shalt  }
0x63: {  	_ =	shalt  }
0x64: {  	_ =	shalt  }
0x65: {  	_ =	shalt  }
0x66: {  	_ =	shalt  }
0x67: {  	_ =	shalt  }
0x68: {  	_ =	shalt  }
0x69: {  	_ =	shalt  }
0x6a: {  	_ =	shalt  }
0x6b: {  	_ =	shalt  }
0x6c: {  	_ =	shalt  }
0x6d: {  	_ =	shalt  }
0x6e: {  	_ =	shalt  }
0x6f: {  	_ =	shalt  }
0x70: {  	_ =	shalt  }
0x71: {  	_ =	shalt  }
0x72: {  	_ =	shalt  }
0x73: {  	_ =	shalt  }
0x74: {  	_ =	shalt  }
0x75: {  	_ =	shalt  }
0x76: {  	_ =	shalt  }
0x77: {  	_ =	shalt  }
0x78: {  	_ =	shalt  }
0x79: {  	_ =	shalt  }
0x7a: {  	_ =	shalt  }
0x7b: {  	_ =	shalt  }
0x7c: {  	_ =	shalt  }
0x7d: {  	_ =	shalt  }
0x7e: {  	_ =	shalt  }
0x7f: {  	_ =	shalt  }
0x80: {  	_ =	shalt  }
0x81: {  	_ =	shalt  }
0x82: {  	_ =	shalt  }
0x83: {  	_ =	shalt  }
0x84: {  	_ =	shalt  }
0x85: {  	_ =	shalt  }
0x86: {  	_ =	shalt  }
0x87: {  	_ =	shalt  }
.Lfunc_end0:
.L_simem_size_0:
called_computation_lowered:
.L_overlay_start_0:
0x88: {  	s2 =	sld [smem:$0x3FD9]  }
0x89: {  	s3 =	sld [smem:$0x3FFE];
	_ =	sdelay $0x1  }
0x8a: {  	s1 =	srdreg.scid  }
0x8b: {  	s0 =	sand.u32 $0x1, s1  }
0x8c: {  	s17 =	sshll.u32 s0, $0xA;
	s2 =	sadd.s32 s3, s2  }
0x8d: {  	s2 =	sadd.s32 s2, s17  }
0x8e: {  	[smem:$0x3FC7] =	sst s2  }
0x8f: {  	_ = 	snop  }
0x90: {  	s2 =	sld [smem:$0x3FD0];
	(tm) =	ssettm $0x1  }
0x91: {  	s18 =	sld [smem:$0x3FFB];
	_ =	sdelay $0x3  }
0x92: {  	_ =	strace s18  }
0x93: {  	s3 =	sld [smem:$0x3FFC];
	_ =	sdelay $0x3  }
0x94: {  	_ =	strace s3  }
0x95: {  	s3 =	sld [smem:$0x3FFD];
	_ =	sdelay $0x3  }
0x96: {  	_ =	strace s3  }
0x97: {  	_ =	strace $0x8FFFFFFF  }
0x98: {  	s19 =	sld [smem:$0x3FDB];
	_ =	sdelay $0x1  }
0x99: {  	s4 =	simm.s32 $_scs_section_size  }
0x9a: {  	s5 =	simm.s32 $_size__tile_overlayer_lowered;
	s6 =	simm.s32 $_tile_overlayer_lowered  }
0x9b: {  	s22 =	simm.s32 $0x1BFF;
	s21 =	sshll.u32 s6, $0x1;
	s3 =	sadd.s32 s4, s19  }
0x9c: {  	s7 =	simm.s32 $0x0;
	s20 =	sshll.u32 s5, $0x1;
	s5 =	sadd.s32 s21, s3  }
0x9d: {  	[timem:s7], [sflag:s22] =	dma.local [hbm:s5], s20  }
0x9e: {  	_ =	swait.ge [sflag:s22], s20  }
0x9f: {  	s4 =	ssub.s32 $0x0, s20;
	[sflag:s22] =	ssyncset.done $0x0  }
0xa0: {  	[sflag:s22] =	ssyncadd.s32 s4;
	_ =	sdelay $0x1  }
0xa1: {  	s23 =	simm.s32 $0x1B8B  }
0xa2: {  	_ =	swait.ge [sflag:s23], $0x1  }
0xa3: {  	[sflag:s23] =	ssyncset.done $0x0  }
0xa4: {  	s25 =	simm.s32 $0x1B8E;
	s24 =	sld [smem:$0x3FFE];
	[sflag:s23] =	ssyncadd.s32 $0xFFFFFFFF  }
0xa5: {  	s26 =	simm.s32 $execute0_lowered;
	[smem:$0x3FD2] =	sst s25  }
0xa6: {  	s5 =	sshll.u32 s26, $0x1;
	_ =	strace $0x80000046;
	[dreg:$0x1] =	wrdreg $0xFFFFFFFF  }
0xa7: {  	s28 =	simm.s32 $_size_execute0_lowered;
	s3 =	sadd.s32 s3, s5;
	[dreg:$0x0] =	wrdreg $0x0  }
0xa8: {  	s5 =	sshll.u32 s28, $0x1;
	[dreg:$0x2] =	wrdreg s3  }
0xa9: {  	[dreg:$0x3] =	wrdreg s5  }
0xaa: {  	[dreg:$0x4] =	wrdreg $0xC0  }
0xab: {  	_ =	task [dreg:s7], $0x5FFFF  }
0xac: {  	[dreg:$0x1] =	wrdreg $0xFFFFFFFF  }
0xad: {  	[dreg:$0x0] =	wrdreg $0x60  }
0xae: {  	[dreg:$0x2] =	wrdreg s2  }
0xaf: {  	[dreg:$0x3] =	wrdreg s24  }
0xb0: {  	[dreg:$0x4] =	wrdreg $0x9  }
0xb1: {  	_ =	task.clear_ibuf [dreg:s7], $0x5FFFF;
	_ =	strace $0x90000046  }
0xb2: {  	s29 =	simm.s32 $0x9;
	_ =	strace $0x80000048  }
0xb3: {  	_ =	swait.ge [sflag:s29], $0x1  }
0xb4: {  	[sflag:s29] =	ssyncadd.s32 $0xFFFFFFFF  }
0xb5: {  	_ =	strace $0x90000048  }
0xb6: {  	_ =	sfence  }
0xb7: {  	s30 =	sld [smem:$0x0];
	_ =	sdelay $0x2  }
0xb8: {  	s31 =	sshll.u32 s1, $0xD;
	s1 =	sshrl.u32 s1, $0x2  }
0xb9: {  	s3 =	sand.u32 $0x4000, s31;
	s1 =	sadd.s32 s1, s30  }
0xba: {  	s0 =	sor.u32 s3, s0;
	s1 =	sshll.u32 s1, $0x11  }
0xbb: {  	s0 =	sor.u32 s1, s0  }
0xbc: {  	s0 =	sadd.s32 $0x8F2B, s0  }
0xbd: {  	[sflag:s0] =	ssyncadd.remote.s32 $0x1  }
0xbe: {  	_ =	sfence.sel $0xFFFF  }
0xbf: {  	[dreg:$0x0] =	wrdreg $0xFFFFFFFF;
	(pc) =	sbr.abs _section_cstart, $3  }
0xc0: {  	[dreg:$0x1] =	wrdreg $0xFFFFFFFF  }
0xc1: {  	_ =	task.clear_ibuf [dreg:s7], $0x2FFFF;
	_ =	strace $0x9FFFFFFF  }
0xc2: {  	(tm) =	ssettm $0x7FFFFFFF  }
0xc3: {  	_ =	shalt  }
tec
execute0_lowered:
.L_overlay_start_1:
0x0: {  	(tag) =	ssettag $0x1  }
0x1: {  	v0 =	vimm.s32 $0x726C6660  }
0x2: {  	v1 =	vimm.s32 $0x7E78;
	v2 =	vlaneseq.u32;
	vm11 =	vcmask $0xF00  }
0x3: {  	vm5 =	vcmask $0x1710;
	vm6 =	vcmask $0x1B18;
	vm7 =	vcmask $0x1F1C  }
0x4: {  	vm4 =	vcmask $0x2320;
	vm3 =	vcmask $0x2724;
	vm0 =	vcmask $0x2B28  }
0x5: {  	v4 =	vimm.s32 $0x746E6862;
	vm2 =	vcmask $0x2F2C;
	vm1 =	vcmask $0x3330  }
0x6: {  	vm9 =	vcmask $0x1310;
	vm10 =	vcmask $0x1714;
	vm8 =	vcmask $0x3B38  }
0x7: {  	v7 =	vimm.s32 $0x77716B65;
	v47 =	vimm.s32 $0x27C7670;
	v48 =	vimm.s32 $0x1A140E08  }
0x8: {  	v9 =	vimm.s32 $0x524C4640;
	v10 =	vimm.s32 $0x6A645E58;
	vm12 =	vcmask $0x1F10  }
0x9: {  	v50 =	vimm.s32 $0x37D7771;
	v51 =	vimm.s32 $0x1B150F09;
	v11 =	vimm.s32 $0x534D4741  }
0xa: {  	v12 =	vimm.s32 $0x6B655F59;
	v13 =	vimm.s32 $0x47E7872;
	v14 =	vimm.s32 $0x1C16100A  }
0xb: {  	v54 =	vimm.s32 $0x544E4842;
	v55 =	vimm.s32 $0x6C66605A;
	v15 =	vimm.s32 $0x6D67615B  }
0xc: {  	v58 =	vimm.s32 $0x6007A74;
	v59 =	vimm.s32 $0x1E18120C;
	vm13 =	vcmask $0x2700  }
0xd: {  	v60 =	vimm.s32 $0x56504A44;
	v16 =	vimm.s32 $0x6F69635D;
	vm14 =	vcmask $0x1700  }
0xe: {  	v63 =	vimm.s32 $0x3A342E28;
	vm15 =	vcmask $0x1300;
	v0 =	vunpack.c.0.s8.s32 v0  }
0xf: {  	v1 =	vunpack.c.0.s8.s32 v1;
	v31 =	vmul.u32 $0x6, v2;
	v9 =	vunpack.c.0.s8.s32 v9  }
0x10: {  	v10 =	vunpack.c.0.s8.s32 v10;
	v11 =	vunpack.c.0.s8.s32 v11;
	v12 =	vunpack.c.0.s8.s32 v12  }
0x11: {  	v13 =	vunpack.c.0.s8.s32 v13;
	v14 =	vunpack.c.0.s8.s32 v14;
	v2 =	vnsel vm11, $0x43A, v0  }
0x12: {  	v16 =	vunpack.c.0.s8.s32 v16;
	v49 =	vsel vm12, v10, v9;
	v1 =	vsel vm5, v1, v2  }
0x13: {  	v9 =	vunpack.c.0.s8.s32 v50;
	v10 =	vunpack.c.0.s8.s32 v51;
	v1 =	vsel vm6, $0x404, v1  }
0x14: {  	v52 =	vsel vm12, v12, v11;
	v53 =	vsel vm12, v14, v13;
	v1 =	vsel vm7, $0x40A, v1  }
0x15: {  	v12 =	vimm.s32 $0x57F7973;
	v11 =	vunpack.c.0.s8.s32 v55;
	v1 =	vsel vm4, $0x410, v1  }
0x16: {  	v13 =	vimm.s32 $0x1D17110B;
	v14 =	vimm.s32 $0x554F4943;
	v1 =	vsel vm3, $0x416, v1  }
0x17: {  	v12 =	vunpack.c.0.s8.s32 v12;
	v3 =	vsel vm0, $0x41C, v1;
	v1 =	vimm.s32 $0x736D6761  }
0x18: {  	v13 =	vunpack.c.0.s8.s32 v13;
	v2 =	vunpack.c.0.s8.s32 v1;
	v1 =	vimm.s32 $0x7F79  }
0x19: {  	v56 =	vunpack.c.0.s8.s32 v14;
	v14 =	vunpack.c.0.s8.s32 v15;
	v5 =	vunpack.c.0.s8.s32 v1  }
0x1a: {  	v15 =	vimm.s32 $0x57514B45;
	v1 =	vunpack.c.0.s8.s32 v4;
	v4 =	vnsel vm11, $0x43B, v2  }
0x1b: {  	v15 =	vunpack.c.0.s8.s32 v15;
	v57 =	vsel vm12, v14, v56;
	v4 =	vsel vm5, v5, v4  }
0x1c: {  	v14 =	vimm.s32 $0x1F19130D;
	v5 =	vnsel vm11, $0x43C, v1;
	v4 =	vsel vm6, $0x405, v4  }
0x1d: {  	v3 =	vsel vm2, $0x422, v3;
	v5 =	vsel vm9, $0x7A, v5;
	v4 =	vsel vm7, $0x40B, v4  }
0x1e: {  	v3 =	vsel vm1, $0x428, v3;
	v5 =	vsel vm10, $0x400, v5;
	v4 =	vsel vm4, $0x411, v4  }
0x1f: {  	vm5 =	vcmask $0x3734;
	v5 =	vsel vm6, $0x406, v5;
	v4 =	vsel vm3, $0x417, v4  }
0x20: {  	v3 =	vsel vm5, $0x42E, v3;
	v5 =	vsel vm7, $0x40C, v5;
	v4 =	vsel vm0, $0x41D, v4  }
0x21: {  	v37 =	vsel vm8, $0x434, v3;
	v5 =	vsel vm4, $0x412, v5;
	v3 =	vsel vm2, $0x423, v4  }
0x22: {  	v4 =	vsel vm3, $0x418, v5;
	v5 =	vimm.s32 $0x756F6963;
	v3 =	vsel vm1, $0x429, v3  }
0x23: {  	v4 =	vsel vm0, $0x41E, v4;
	v5 =	vunpack.c.0.s8.s32 v5;
	v3 =	vsel vm5, $0x42F, v3  }
0x24: {  	v14 =	vunpack.c.0.s8.s32 v14;
	v4 =	vsel vm2, $0x424, v4;
	v38 =	vsel vm8, $0x435, v3  }
0x25: {  	v3 =	vsel vm1, $0x42A, v4;
	v4 =	vimm.s32 $0x76706A64;
	v6 =	vnsel vm11, $0x43D, v5  }
0x26: {  	v62 =	vsel vm12, v16, v15;
	v4 =	vunpack.c.0.s8.s32 v4;
	v6 =	vsel vm9, $0x7B, v6  }
0x27: {  	v8 =	vsel vm5, $0x430, v3;
	v3 =	vunpack.c.0.s8.s32 v7;
	v6 =	vsel vm10, $0x401, v6  }
0x28: {  	v39 =	vsel vm8, $0x436, v8;
	v7 =	vnsel vm11, $0x43E, v4;
	v6 =	vsel vm6, $0x407, v6  }
0x29: {  	v46 =	vnsel vm11, $0x43F, v3;
	vm11 =	vcmask $0x2B00;
	v7 =	vsel vm9, $0x7C, v7  }
0x2a: {  	v6 =	vsel vm7, $0x40D, v6;
	v8 =	vsel vm9, $0x7D, v46;
	v7 =	vsel vm10, $0x402, v7  }
0x2b: {  	v6 =	vsel vm4, $0x413, v6;
	v8 =	vsel vm10, $0x403, v8;
	v7 =	vsel vm6, $0x408, v7  }
0x2c: {  	v6 =	vsel vm3, $0x419, v6;
	v8 =	vsel vm6, $0x409, v8;
	v7 =	vsel vm7, $0x40E, v7  }
0x2d: {  	v6 =	vsel vm0, $0x41F, v6;
	v8 =	vsel vm7, $0x40F, v8;
	v7 =	vsel vm4, $0x414, v7  }
0x2e: {  	v6 =	vsel vm2, $0x425, v6;
	v8 =	vsel vm4, $0x415, v8;
	v7 =	vsel vm3, $0x41A, v7  }
0x2f: {  	v6 =	vsel vm1, $0x42B, v6;
	v8 =	vsel vm3, $0x41B, v8;
	v7 =	vsel vm0, $0x420, v7  }
0x30: {  	v6 =	vsel vm5, $0x431, v6;
	v8 =	vsel vm0, $0x421, v8;
	v7 =	vsel vm2, $0x426, v7  }
0x31: {  	v40 =	vsel vm8, $0x437, v6;
	v6 =	vsel vm1, $0x42C, v7;
	v7 =	vsel vm2, $0x427, v8  }
0x32: {  	v8 =	vunpack.c.0.s8.s32 v48;
	v6 =	vsel vm5, $0x432, v6;
	v7 =	vsel vm1, $0x42D, v7  }
0x33: {  	v41 =	vsel vm8, $0x438, v6;
	v6 =	vsel vm5, $0x433, v7;
	v7 =	vunpack.c.0.s8.s32 v47  }
0x34: {  	v46 =	vimm.s32 $0xA047E78;
	v18 =	vsel vm8, $0x439, v6;
	v6 =	vimm.s32 $0x800  }
0x35: {  	v7 =	vsel vm12, v8, v7;
	v42 =	vsel vm11, $0x400, v6;
	v43 =	vsel vm13, $0x400, v6  }
0x36: {  	v8 =	vunpack.c.0.s8.s32 v63;
	v63 =	vimm.s32 $0x3B352F29;
	vm11 =	vcmask $0x300  }
0x37: {  	vm13 =	vcmask $0xB08;
	v47 =	vcombine.low v49, v7;
	v7 =	vsel vm12, v10, v9  }
0x38: {  	v10 =	vunpack.c.0.s8.s32 v54;
	v9 =	vunpack.c.0.s8.s32 v58;
	v48 =	vcombine.low v52, v7  }
0x39: {  	v7 =	vsel vm12, v13, v12;
	v12 =	vimm.s32 $0x6E68625C;
	v13 =	vimm.s32 $0x7017B75  }
0x3a: {  	v10 =	vsel vm12, v11, v10;
	v11 =	vunpack.c.0.s8.s32 v60;
	v12 =	vunpack.c.0.s8.s32 v12  }
0x3b: {  	v52 =	vimm.s32 $0x231D1711;
	v49 =	vcombine.low v10, v53;
	v10 =	vunpack.c.0.s8.s32 v59  }
0x3c: {  	v13 =	vunpack.c.0.s8.s32 v13;
	v50 =	vcombine.low v57, v7;
	v7 =	vsel vm12, v12, v11  }
0x3d: {  	v12 =	vimm.s32 $0xB057F79;
	v11 =	vunpack.c.0.s8.s32 v63;
	v6 =	vsel vm12, v10, v9  }
0x3e: {  	v9 =	vunpack.c.0.s8.s32 v46;
	v10 =	vunpack.c.0.s8.s32 v52;
	v12 =	vunpack.c.0.s8.s32 v12  }
0x3f: {  	v51 =	vcombine.low v7, v6;
	v6 =	vimm.s32 $0x1000;
	v7 =	vimm.s32 $0x221C1610  }
0x40: {  	v61 =	vsel vm12, v14, v13;
	v7 =	vunpack.c.0.s8.s32 v7;
	v52 =	vsel vm14, $0xC00, v6  }
0x41: {  	v0 =	vsel vm12, v9, v0;
	v46 =	vsel vm12, v11, v10;
	v2 =	vsel vm12, v12, v2  }
0x42: {  	v9 =	vimm.s32 $0x3D37312B;
	v13 =	vsel vm15, $0xC00, v6;
	v12 =	vcombine.low v2, v46  }
0x43: {  	v2 =	vimm.s32 $0x3C36302A;
	v46 =	vimm.s32 $0xD07017B;
	v7 =	vsel vm12, v8, v7  }
0x44: {  	v11 =	vcombine.low v0, v7;
	v0 =	vimm.s32 $0x241E1812;
	v7 =	vimm.s32 $0xC06007A  }
0x45: {  	v2 =	vunpack.c.0.s8.s32 v2;
	v0 =	vunpack.c.0.s8.s32 v0;
	v7 =	vunpack.c.0.s8.s32 v7  }
0x46: {  	v9 =	vunpack.c.0.s8.s32 v9;
	v8 =	vimm.s32 $0x251F1913;
	v10 =	vunpack.c.0.s8.s32 v46  }
0x47: {  	v8 =	vunpack.c.0.s8.s32 v8;
	v0 =	vsel vm12, v2, v0;
	v1 =	vsel vm12, v7, v1  }
0x48: {  	v6 =	vimm.s32 $0x3F39332D;
	v2 =	vimm.s32 $0xE08027C;
	v14 =	vcombine.low v1, v0  }
0x49: {  	v0 =	vsel vm12, v9, v8;
	v1 =	vsel vm12, v10, v5;
	v2 =	vunpack.c.0.s8.s32 v2  }
0x4a: {  	v20 =	vcombine.low v1, v0;
	v0 =	vimm.s32 $0x26201A14;
	v1 =	vimm.s32 $0x3E38322C  }
0x4b: {  	v5 =	vimm.s32 $0x27211B15;
	v0 =	vunpack.c.0.s8.s32 v0;
	v1 =	vunpack.c.0.s8.s32 v1  }
0x4c: {  	v6 =	vunpack.c.0.s8.s32 v6;
	v7 =	vimm.s32 $0xF09037D;
	v5 =	vunpack.c.0.s8.s32 v5  }
0x4d: {  	v0 =	vsel vm12, v1, v0;
	v1 =	vsel vm12, v2, v4;
	v2 =	vunpack.c.0.s8.s32 v7  }
0x4e: {  	vm14 =	vcmask $0xF0C;
	v4 =	vsel vm12, v6, v5;
	v5 =	vimm.s32 $0x141A  }
0x4f: {  	v17 =	vcombine.low v1, v0;
	v1 =	vimm.s32 $0x141B;
	v2 =	vsel vm12, v2, v3  }
0x50: {  	v3 =	vsel vm11, $0x1040, v5;
	vm12 =	vcmask $0x704;
	v1 =	vsel vm11, $0x1041, v1  }
0x51: {  	v19 =	vcombine.low v2, v4;
	v0 =	vsel vm12, $0x1046, v3;
	v2 =	vimm.s32 $0x141C  }
0x52: {  	v1 =	vsel vm12, $0x1047, v1;
	v0 =	vsel vm13, $0x104C, v0;
	v2 =	vsel vm11, $0x1042, v2  }
0x53: {  	v1 =	vsel vm13, $0x104D, v1;
	v2 =	vsel vm12, $0x1048, v2;
	v0 =	vsel vm14, $0x1052, v0  }
0x54: {  	v1 =	vsel vm14, $0x1053, v1;
	v2 =	vsel vm13, $0x104E, v2;
	v0 =	vsel vm9, $0x1058, v0  }
0x55: {  	v1 =	vsel vm9, $0x1059, v1;
	v2 =	vsel vm14, $0x1054, v2;
	v0 =	vsel vm10, $0x105E, v0  }
0x56: {  	v1 =	vsel vm10, $0x105F, v1;
	v2 =	vsel vm9, $0x105A, v2;
	v0 =	vsel vm6, $0x1064, v0  }
0x57: {  	v1 =	vsel vm6, $0x1065, v1;
	v2 =	vsel vm10, $0x1060, v2;
	v0 =	vsel vm7, $0x106A, v0  }
0x58: {  	v1 =	vsel vm7, $0x106B, v1;
	v2 =	vsel vm6, $0x1066, v2;
	v0 =	vsel vm4, $0x1070, v0  }
0x59: {  	v1 =	vsel vm4, $0x1071, v1;
	v2 =	vsel vm7, $0x106C, v2;
	v0 =	vsel vm3, $0x1076, v0  }
0x5a: {  	v1 =	vsel vm3, $0x1077, v1;
	v2 =	vsel vm4, $0x1072, v2;
	v0 =	vsel vm0, $0x107C, v0  }
0x5b: {  	v1 =	vsel vm0, $0x107D, v1;
	v2 =	vsel vm3, $0x1078, v2;
	v0 =	vsel vm2, $0x1402, v0  }
0x5c: {  	v1 =	vsel vm2, $0x1403, v1;
	v2 =	vsel vm0, $0x107E, v2;
	v0 =	vsel vm1, $0x1408, v0  }
0x5d: {  	v1 =	vsel vm1, $0x1409, v1;
	v2 =	vsel vm2, $0x1404, v2;
	v0 =	vsel vm5, $0x140E, v0  }
0x5e: {  	v2 =	vsel vm1, $0x140A, v2;
	v23 =	vsel vm8, $0x1414, v0;
	v0 =	vsel vm5, $0x140F, v1  }
0x5f: {  	v3 =	vmovc v13;
	v1 =	vsel vm5, $0x1410, v2;
	v13 =	vsel vm8, $0x1415, v0;
	v0 =	vimm.s32 $0x141D  }
0x60: {  	v24 =	vsel vm8, $0x1416, v1;
	v0 =	vsel vm11, $0x1043, v0;
	v1 =	vimm.s32 $0x141E  }
0x61: {  	v0 =	vsel vm12, $0x1049, v0;
	v1 =	vsel vm11, $0x1044, v1  }
0x62: {  	v0 =	vsel vm13, $0x104F, v0;
	v1 =	vsel vm12, $0x104A, v1  }
0x63: {  	v2 =	vimm.s32 $0x141F;
	v0 =	vsel vm14, $0x1055, v0;
	v1 =	vsel vm13, $0x1050, v1  }
0x64: {  	v2 =	vsel vm11, $0x1045, v2;
	v0 =	vsel vm9, $0x105B, v0;
	v1 =	vsel vm14, $0x1056, v1  }
0x65: {  	v2 =	vsel vm12, $0x104B, v2;
	v0 =	vsel vm10, $0x1061, v0;
	v1 =	vsel vm9, $0x105C, v1  }
0x66: {  	v2 =	vsel vm13, $0x1051, v2;
	v0 =	vsel vm6, $0x1067, v0;
	v1 =	vsel vm10, $0x1062, v1  }
0x67: {  	v2 =	vsel vm14, $0x1057, v2;
	v0 =	vsel vm7, $0x106D, v0;
	v1 =	vsel vm6, $0x1068, v1  }
0x68: {  	v2 =	vsel vm9, $0x105D, v2;
	v0 =	vsel vm4, $0x1073, v0;
	v1 =	vsel vm7, $0x106E, v1  }
0x69: {  	v2 =	vsel vm10, $0x1063, v2;
	v0 =	vsel vm3, $0x1079, v0;
	v1 =	vsel vm4, $0x1074, v1  }
0x6a: {  	v2 =	vsel vm6, $0x1069, v2;
	v0 =	vsel vm0, $0x107F, v0;
	v1 =	vsel vm3, $0x107A, v1  }
0x6b: {  	v2 =	vsel vm7, $0x106F, v2;
	v0 =	vsel vm2, $0x1405, v0;
	v1 =	vsel vm0, $0x1400, v1  }
0x6c: {  	v2 =	vsel vm4, $0x1075, v2;
	v0 =	vsel vm1, $0x140B, v0;
	v1 =	vsel vm2, $0x1406, v1  }
0x6d: {  	v2 =	vsel vm3, $0x107B, v2;
	v0 =	vsel vm5, $0x1411, v0;
	v1 =	vsel vm1, $0x140C, v1  }
0x6e: {  	v2 =	vsel vm0, $0x1401, v2;
	v25 =	vsel vm8, $0x1417, v0;
	v0 =	vsel vm5, $0x1412, v1  }
0x6f: {  	v2 =	vsel vm2, $0x1407, v2;
	v26 =	vsel vm8, $0x1418, v0;
	v0 =	vadd.s32 $0x1425, v31  }
0x70: {  	v2 =	vsel vm1, $0x140D, v2;
	[tilespmem:$0x1FEA0] =	vst v0;
	v0 =	vimm.s32 $0x1C3A  }
0x71: {  	v1 =	vsel vm5, $0x1413, v2;
	v0 =	vsel vm11, $0x1860, v0  }
0x72: {  	v27 =	vsel vm8, $0x1419, v1;
	v1 =	vimm.s32 $0x1C3B;
	v0 =	vsel vm12, $0x1866, v0  }
0x73: {  	v2 =	vimm.s32 $0x1C3C;
	v1 =	vsel vm11, $0x1861, v1;
	v0 =	vsel vm13, $0x186C, v0  }
0x74: {  	v2 =	vsel vm11, $0x1862, v2;
	v1 =	vsel vm12, $0x1867, v1;
	v0 =	vsel vm14, $0x1872, v0  }
0x75: {  	v2 =	vsel vm12, $0x1868, v2;
	v1 =	vsel vm13, $0x186D, v1;
	v0 =	vsel vm9, $0x1878, v0  }
0x76: {  	v2 =	vsel vm13, $0x186E, v2;
	v1 =	vsel vm14, $0x1873, v1;
	v0 =	vsel vm10, $0x187E, v0  }
0x77: {  	v2 =	vsel vm14, $0x1874, v2;
	v1 =	vsel vm9, $0x1879, v1;
	v0 =	vsel vm6, $0x1C04, v0  }
0x78: {  	v2 =	vsel vm9, $0x187A, v2;
	v1 =	vsel vm10, $0x187F, v1;
	v0 =	vsel vm7, $0x1C0A, v0  }
0x79: {  	v2 =	vsel vm10, $0x1C00, v2;
	v1 =	vsel vm6, $0x1C05, v1;
	v0 =	vsel vm4, $0x1C10, v0  }
0x7a: {  	v2 =	vsel vm6, $0x1C06, v2;
	v1 =	vsel vm7, $0x1C0B, v1;
	v0 =	vsel vm3, $0x1C16, v0  }
0x7b: {  	v2 =	vsel vm7, $0x1C0C, v2;
	v1 =	vsel vm4, $0x1C11, v1;
	v0 =	vsel vm0, $0x1C1C, v0  }
0x7c: {  	v2 =	vsel vm4, $0x1C12, v2;
	v1 =	vsel vm3, $0x1C17, v1;
	v0 =	vsel vm2, $0x1C22, v0  }
0x7d: {  	v2 =	vsel vm3, $0x1C18, v2;
	v1 =	vsel vm0, $0x1C1D, v1;
	v0 =	vsel vm1, $0x1C28, v0  }
0x7e: {  	v2 =	vsel vm0, $0x1C1E, v2;
	v1 =	vsel vm2, $0x1C23, v1;
	v0 =	vsel vm5, $0x1C2E, v0  }
0x7f: {  	v2 =	vsel vm2, $0x1C24, v2;
	v1 =	vsel vm1, $0x1C29, v1;
	v0 =	vsel vm8, $0x1C34, v0  }
0x80: {  	v2 =	vsel vm1, $0x1C2A, v2;
	[tilespmem:$0x1FEB0] =	vst v0;
	v0 =	vsel vm5, $0x1C2F, v1  }
0x81: {  	v1 =	vsel vm5, $0x1C30, v2;
	v0 =	vsel vm8, $0x1C35, v0  }
0x82: {  	[tilespmem:$0x1FEC0] =	vst v0;
	v0 =	vsel vm8, $0x1C36, v1  }
0x83: {  	[tilespmem:$0x1FED0] =	vst v0;
	v0 =	vimm.s32 $0x1C3D  }
0x84: {  	v0 =	vsel vm11, $0x1863, v0  }
0x85: {  	v1 =	vimm.s32 $0x1C3E;
	v0 =	vsel vm12, $0x1869, v0  }
0x86: {  	v2 =	vimm.s32 $0x1C3F;
	v1 =	vsel vm11, $0x1864, v1;
	v0 =	vsel vm13, $0x186F, v0  }
0x87: {  	v2 =	vsel vm11, $0x1865, v2;
	v1 =	vsel vm12, $0x186A, v1;
	v0 =	vsel vm14, $0x1875, v0  }
0x88: {  	v2 =	vsel vm12, $0x186B, v2;
	v1 =	vsel vm13, $0x1870, v1;
	v0 =	vsel vm9, $0x187B, v0  }
0x89: {  	v2 =	vsel vm13, $0x1871, v2;
	v1 =	vsel vm14, $0x1876, v1;
	v0 =	vsel vm10, $0x1C01, v0  }
0x8a: {  	v2 =	vsel vm14, $0x1877, v2;
	v1 =	vsel vm9, $0x187C, v1;
	v0 =	vsel vm6, $0x1C07, v0  }
0x8b: {  	v2 =	vsel vm9, $0x187D, v2;
	v1 =	vsel vm10, $0x1C02, v1;
	v0 =	vsel vm7, $0x1C0D, v0  }
0x8c: {  	v2 =	vsel vm10, $0x1C03, v2;
	v1 =	vsel vm6, $0x1C08, v1;
	v0 =	vsel vm4, $0x1C13, v0  }
0x8d: {  	v2 =	vsel vm6, $0x1C09, v2;
	v1 =	vsel vm7, $0x1C0E, v1;
	v0 =	vsel vm3, $0x1C19, v0  }
0x8e: {  	v2 =	vsel vm7, $0x1C0F, v2;
	v1 =	vsel vm4, $0x1C14, v1;
	v0 =	vsel vm0, $0x1C1F, v0  }
0x8f: {  	v2 =	vsel vm4, $0x1C15, v2;
	v1 =	vsel vm3, $0x1C1A, v1;
	v0 =	vsel vm2, $0x1C25, v0  }
0x90: {  	v2 =	vsel vm3, $0x1C1B, v2;
	v1 =	vsel vm0, $0x1C20, v1;
	v0 =	vsel vm1, $0x1C2B, v0  }
0x91: {  	v2 =	vsel vm0, $0x1C21, v2;
	v1 =	vsel vm2, $0x1C26, v1;
	v0 =	vsel vm5, $0x1C31, v0  }
0x92: {  	v2 =	vsel vm2, $0x1C27, v2;
	v1 =	vsel vm1, $0x1C2C, v1;
	v0 =	vsel vm8, $0x1C37, v0  }
0x93: {  	v2 =	vsel vm1, $0x1C2D, v2;
	[tilespmem:$0x1FEE0] =	vst v0;
	v0 =	vsel vm5, $0x1C32, v1  }
0x94: {  	v1 =	vsel vm5, $0x1C33, v2;
	v0 =	vsel vm8, $0x1C38, v0  }
0x95: {  	[tilespmem:$0x1FEF0] =	vst v0;
	v0 =	vsel vm8, $0x1C39, v1  }
0x96: {  	[tilespmem:$0x1FF00] =	vst v0;
	v0 =	vimm.s32 $0x201A  }
0x97: {  	v0 =	vsel vm11, $0x1C40, v0  }
0x98: {  	v1 =	vimm.s32 $0x201B;
	v0 =	vsel vm12, $0x1C46, v0  }
0x99: {  	v2 =	vimm.s32 $0x201C;
	v1 =	vsel vm11, $0x1C41, v1;
	v0 =	vsel vm13, $0x1C4C, v0  }
0x9a: {  	v2 =	vsel vm11, $0x1C42, v2;
	v1 =	vsel vm12, $0x1C47, v1;
	v0 =	vsel vm14, $0x1C52, v0  }
0x9b: {  	v2 =	vsel vm12, $0x1C48, v2;
	v1 =	vsel vm13, $0x1C4D, v1;
	v0 =	vsel vm9, $0x1C58, v0  }
0x9c: {  	v2 =	vsel vm13, $0x1C4E, v2;
	v1 =	vsel vm14, $0x1C53, v1;
	v0 =	vsel vm10, $0x1C5E, v0  }
0x9d: {  	v2 =	vsel vm14, $0x1C54, v2;
	v1 =	vsel vm9, $0x1C59, v1;
	v0 =	vsel vm6, $0x1C64, v0  }
0x9e: {  	v2 =	vsel vm9, $0x1C5A, v2;
	v1 =	vsel vm10, $0x1C5F, v1;
	v0 =	vsel vm7, $0x1C6A, v0  }
0x9f: {  	v2 =	vsel vm10, $0x1C60, v2;
	v1 =	vsel vm6, $0x1C65, v1;
	v0 =	vsel vm4, $0x1C70, v0  }
0xa0: {  	v2 =	vsel vm6, $0x1C66, v2;
	v1 =	vsel vm7, $0x1C6B, v1;
	v0 =	vsel vm3, $0x1C76, v0  }
0xa1: {  	v2 =	vsel vm7, $0x1C6C, v2;
	v1 =	vsel vm4, $0x1C71, v1;
	v0 =	vsel vm0, $0x1C7C, v0  }
0xa2: {  	v2 =	vsel vm4, $0x1C72, v2;
	v1 =	vsel vm3, $0x1C77, v1;
	v0 =	vsel vm2, $0x2002, v0  }
0xa3: {  	v2 =	vsel vm3, $0x1C78, v2;
	v1 =	vsel vm0, $0x1C7D, v1;
	v0 =	vsel vm1, $0x2008, v0  }
0xa4: {  	v2 =	vsel vm0, $0x1C7E, v2;
	v1 =	vsel vm2, $0x2003, v1;
	v0 =	vsel vm5, $0x200E, v0  }
0xa5: {  	v2 =	vsel vm2, $0x2004, v2;
	v1 =	vsel vm1, $0x2009, v1;
	v0 =	vsel vm8, $0x2014, v0  }
0xa6: {  	v32 =	vor.u32 $0x1, v31;
	v2 =	vsel vm1, $0x200A, v2;
	[tilespmem:$0x1FF10] =	vst v0;
	v0 =	vsel vm5, $0x200F, v1  }
0xa7: {  	v33 =	vadd.s32 $0x2, v31;
	v1 =	vsel vm5, $0x2010, v2;
	v0 =	vsel vm8, $0x2015, v0  }
0xa8: {  	v34 =	vadd.s32 $0x3, v31;
	v35 =	vadd.s32 $0x4, v31;
	[tilespmem:$0x1FF20] =	vst v0;
	v0 =	vsel vm8, $0x2016, v1  }
0xa9: {  	v36 =	vadd.s32 $0x5, v31;
	v45 =	vadd.s32 $0x20, v31;
	[tilespmem:$0x1FF30] =	vst v0;
	v0 =	vimm.s32 $0x201D  }
0xaa: {  	v55 =	vadd.s32 $0x22, v31;
	v44 =	vor.u32 $0xC00, v31;
	v0 =	vsel vm11, $0x1C43, v0  }
0xab: {  	v16 =	vadd.s32 $0x1424, v31;
	v1 =	vimm.s32 $0x201E;
	v0 =	vsel vm12, $0x1C49, v0  }
0xac: {  	v2 =	vimm.s32 $0x201F;
	v1 =	vsel vm11, $0x1C44, v1;
	v0 =	vsel vm13, $0x1C4F, v0  }
0xad: {  	v2 =	vsel vm11, $0x1C45, v2;
	v1 =	vsel vm12, $0x1C4A, v1;
	v0 =	vsel vm14, $0x1C55, v0  }
0xae: {  	v2 =	vsel vm12, $0x1C4B, v2;
	v1 =	vsel vm13, $0x1C50, v1;
	v0 =	vsel vm9, $0x1C5B, v0  }
0xaf: {  	v2 =	vsel vm13, $0x1C51, v2;
	v1 =	vsel vm14, $0x1C56, v1;
	v0 =	vsel vm10, $0x1C61, v0  }
0xb0: {  	v2 =	vsel vm14, $0x1C57, v2;
	v1 =	vsel vm9, $0x1C5C, v1;
	v0 =	vsel vm6, $0x1C67, v0  }
0xb1: {  	v2 =	vsel vm9, $0x1C5D, v2;
	v1 =	vsel vm10, $0x1C62, v1;
	v0 =	vsel vm7, $0x1C6D, v0  }
0xb2: {  	s0 =	rddreg [dreg:$0x0];
	v2 =	vsel vm10, $0x1C63, v2;
	v1 =	vsel vm6, $0x1C68, v1;
	v0 =	vsel vm4, $0x1C73, v0  }
0xb3: {  	s4 =	rddreg [dreg:$0x1];
	s2 =	simm.s32 $0x0;
	v2 =	vsel vm6, $0x1C69, v2;
	v1 =	vsel vm7, $0x1C6E, v1;
	v0 =	vsel vm3, $0x1C79, v0  }
0xb4: {  	[smem:$0x7FF] =	sst s2;
	v2 =	vsel vm7, $0x1C6F, v2;
	v1 =	vsel vm4, $0x1C74, v1;
	v0 =	vsel vm0, $0x1C7F, v0  }
0xb5: {  	s1 =	rddreg [dreg:$0x2];
	_ =	strace $0x80000047;
	[tilespmem:$0x1FFB0] =	vst v16;
	v2 =	vsel vm4, $0x1C75, v2;
	v1 =	vsel vm3, $0x1C7A, v1;
	v0 =	vsel vm2, $0x2005, v0  }
0xb6: {  	[tilespmem:$0x1FFC0] =	vst v20;
	v2 =	vsel vm3, $0x1C7B, v2;
	v1 =	vsel vm0, $0x2000, v1;
	v0 =	vsel vm1, $0x200B, v0  }
0xb7: {  	[tilespmem:$0x1FFD0] =	vst v19;
	v2 =	vsel vm0, $0x2001, v2;
	v1 =	vsel vm2, $0x2006, v1;
	v0 =	vsel vm5, $0x2011, v0  }
0xb8: {  	[tilespmem:$0x1FFE0] =	vst v17;
	v2 =	vsel vm2, $0x2007, v2;
	v1 =	vsel vm1, $0x200C, v1;
	v0 =	vsel vm8, $0x2017, v0  }
0xb9: {  	v28 =	vadd.s32 $0x1421, v31;
	v2 =	vsel vm1, $0x200D, v2;
	[tilespmem:$0x1FF40] =	vst v0;
	v0 =	vsel vm5, $0x2012, v1  }
0xba: {  	v21 =	vadd.s32 $0x1422, v31;
	[tilespmem:$0x1FFF0] =	vst v18;
	v1 =	vsel vm5, $0x2013, v2;
	v0 =	vsel vm8, $0x2018, v0  }
0xbb: {  	s3 =	srdreg.scid;
	v22 =	vadd.s32 $0x1423, v31;
	v56 =	vadd.s32 $0x23, v31;
	[tilespmem:$0x1FF50] =	vst v0;
	v0 =	vsel vm8, $0x2019, v1  }
0xbc: {  	s5 =	sand.u32 $0x1, s3;
	v54 =	vadd.s32 $0x21, v31;
	v58 =	vadd.s32 $0x25, v31;
	[tilespmem:$0x1FF60] =	vst v0;
	v0 =	vor.u32 $0x1800, v31  }
0xbd: {  	s8 =	simm.s32 $0x3280;
	s9 =	simm.s32 $0x0;
	s6 =	ssub.s32 $0x2, s5;
	v57 =	vadd.s32 $0x24, v31;
	v60 =	vadd.s32 $0xC02, v31;
	[tilespmem:$0x1FF70] =	vst v0;
	v0 =	vor.u32 $0x1801, v31  }
0xbe: {  	s3 =	stileid.u32;
	s4 =	sadd.s32 $0x400, s4;
	s7 =	sshrl.u32 s6, $0x1;
	v59 =	vor.u32 $0xC01, v31;
	v63 =	vadd.s32 $0xC05, v31;
	[tilespmem:$0x1FF80] =	vst v0;
	v0 =	vadd.s32 $0x1802, v31  }
0xbf: {  	s31 =	sshll.u32 s3, $0xA;
	s5 =	sshll.u32 s5, $0x9;
	s6 =	ssub.s32 s6, s7;
	v53 =	vcombine.low v62, v61;
	v61 =	vadd.s32 $0xC03, v31;
	[tilespmem:$0x1FF90] =	vst v0;
	v0 =	vadd.s32 $0x1803, v31  }
0xc0: {  	s5 =	sor.u32 s5, s31;
	s7 =	simm.s32 $0x1;
	s6 =	smax.u32 s6, $0x1;
	v62 =	vadd.s32 $0xC04, v31;
	v46 =	vadd.s32 $0x1420, v31;
	v4 =	vmovc v14;
	v2 =	vmovc v12;
	v1 =	vmov v11;
	[tilespmem:$0x1FFA0] =	vst v0  }
.LBB2_1:
0xc1: {  	s10 =	simm.s32 $0x0;
	v29 =	vld [tilespmem:$0x1FFA0]  }
.LBB2_2:
0xc2: {  	s11 =	sshll.u32 s10, $0x6  }
0xc3: {  	s11 =	sadd.s32 s5, s11  }
0xc4: {  	s12 =	smul.u32 $0x19, s11;
	_ =	sdelay $0x1  }
0xc5: {  	s13 =	sadd.s32 s0, s12;
	s12 =	simm.s32 $0x0  }
0xc6: {  	[tilespmem:s12], [sflag:$0x1] =	stream.linear.gather [hbm4b:s13+s12], $0x3200, $0x38;
	[tilespmem:$0x17280] =	vst v63  }
0xc7: {  	_ =	swait.ge [sflag:s7], $0x3200  }
0xc8: {  	[sflag:s7] =	ssyncset.done $0x0  }
0xc9: {  	s13 =	simm.s32 $0x60;
	v0 =	vmov s12;
	[sflag:s7] =	ssyncadd.s32 $0xFFFFCE00  }
0xca: {  	v6 =	vshrl.u32 v0, $0x3;
	v5 =	vld [tilespmem:s13+$0xFFFFFFA0]  }
0xcb: {  	v0 =	vshll.u32 v0, $0x7;
	v6 =	vmul.u32 $0x2800, v6  }
0xcc: {  	v0 =	vand.u32 $0x380, v0  }
0xcd: {  	v15 =	vmov v18;
	v18 =	vor.u32 v0, v6  }
0xce: {  	v0 =	vor.u32 v31, v18;
	v6 =	vor.u32 v35, v18;
	v7 =	vor.u32 v36, v18  }
0xcf: {  	v10 =	vor.u32 v32, v18;
	v11 =	vor.u32 v33, v18;
	v8 =	vshrl.u32 v5, $0x5  }
0xd0: {  	v30 =	vmovc v13;
	v13 =	vor.u32 v34, v18;
	v9 =	vshrl.u32 v5, $0x4;
	v8 =	vand.u32 $0x1, v8  }
0xd1: {  	v12 =	vshrl.u32 v5, $0x3;
	v9 =	vand.u32 $0x1, v9;
	v8 =	vcvt.s32.f32 v8  }
0xd2: {  	v14 =	vshrl.u32 v5, $0x2;
	v12 =	vand.u32 $0x1, v12;
	v9 =	vcvt.s32.f32 v9  }
0xd3: {  	[tilespmem:v0+s8+$0x0] =	vst.idx.msk $0xffff, v8;
	v0 =	vcvt.s32.f32 v12;
	v8 =	vand.u32 $0x1, v14;
	v12 =	vshrl.u32 v5, $0x1  }
0xd4: {  	[tilespmem:v10+s8+$0x0] =	vst.idx.msk $0xffff, v9;
	v8 =	vcvt.s32.f32 v8;
	v9 =	vand.u32 $0x1, v12  }
0xd5: {  	v5 =	vand.u32 $0x1, v5;
	[tilespmem:v11+s8+$0x0] =	vst.idx.msk $0xffff, v0;
	v0 =	vcvt.s32.f32 v9  }
0xd6: {  	v5 =	vcvt.s32.f32 v5;
	[tilespmem:v13+s8+$0x0] =	vst.idx.msk $0xffff, v8  }
0xd7: {  	[tilespmem:v6+s8+$0x0] =	vst.idx.msk $0xffff, v0  }
0xd8: {  	[tilespmem:v7+s8+$0x0] =	vst.idx.msk $0xffff, v5  }
0xd9: {  	v0 =	vld [tilespmem:s13+$0xFFFFFFB0];
	_ =	sdelay $0x3  }
0xda: {  	v9 =	vor.u32 v39, v18;
	v8 =	vor.u32 v38, v18;
	v7 =	vor.u32 v37, v18  }
0xdb: {  	v6 =	vor.u32 v41, v18;
	v5 =	vor.u32 v40, v18;
	v10 =	vshrl.u32 v0, $0x5  }
0xdc: {  	v11 =	vshrl.u32 v0, $0x4;
	v12 =	vshrl.u32 v0, $0x3;
	v10 =	vand.u32 $0x1, v10  }
0xdd: {  	v13 =	vshrl.u32 v0, $0x2;
	v11 =	vand.u32 $0x1, v11;
	v10 =	vcvt.s32.f32 v10  }
0xde: {  	v14 =	vshrl.u32 v0, $0x1;
	v12 =	vand.u32 $0x1, v12;
	v11 =	vcvt.s32.f32 v11  }
0xdf: {  	v13 =	vand.u32 $0x1, v13;
	[tilespmem:v7+s8+$0x0] =	vst.idx.msk $0xffff, v10;
	v7 =	vcvt.s32.f32 v12;
	v10 =	vor.u32 v15, v18  }
0xe0: {  	v12 =	vand.u32 $0x1, v14;
	[tilespmem:v8+s8+$0x0] =	vst.idx.msk $0xffff, v11;
	v8 =	vcvt.s32.f32 v13  }
0xe1: {  	v0 =	vand.u32 $0x1, v0;
	[tilespmem:v9+s8+$0x0] =	vst.idx.msk $0xffff, v7;
	v7 =	vcvt.s32.f32 v12  }
0xe2: {  	v0 =	vcvt.s32.f32 v0;
	[tilespmem:v5+s8+$0x0] =	vst.idx.msk $0xffff, v8  }
0xe3: {  	[tilespmem:v6+s8+$0x0] =	vst.idx.msk $0xffff, v7  }
0xe4: {  	[tilespmem:v10+s8+$0x0] =	vst.idx.msk $0xffff, v0  }
0xe5: {  	v0 =	vld [tilespmem:s13+$0xFFFFFFC0];
	_ =	sdelay $0x2  }
0xe6: {  	v5 =	vadd.s32 v42, v18;
	v6 =	vadd.s32 v43, v18  }
0xe7: {  	v7 =	vor.u32 v50, v5;
	v9 =	vor.u32 v47, v5;
	v8 =	vor.u32 v51, v6  }
0xe8: {  	v10 =	vor.u32 v48, v5;
	v5 =	vor.u32 v49, v5;
	v11 =	vshrl.u32 v0, $0x5  }
0xe9: {  	v6 =	vor.u32 v53, v6;
	v12 =	vshrl.u32 v0, $0x4;
	v11 =	vand.u32 $0x1, v11  }
0xea: {  	v13 =	vshrl.u32 v0, $0x3;
	v12 =	vand.u32 $0x1, v12;
	v11 =	vcvt.s32.f32 v11  }
0xeb: {  	v14 =	vshrl.u32 v0, $0x2;
	v13 =	vand.u32 $0x1, v13;
	v12 =	vcvt.s32.f32 v12  }
0xec: {  	v15 =	vshrl.u32 v0, $0x1;
	v14 =	vand.u32 $0x1, v14;
	[tilespmem:v9+s8+$0x0] =	vst.idx.msk $0xffff, v11;
	v9 =	vcvt.s32.f32 v13  }
0xed: {  	v11 =	vand.u32 $0x1, v15;
	[tilespmem:v10+s8+$0x0] =	vst.idx.msk $0xffff, v12;
	v10 =	vcvt.s32.f32 v14  }
0xee: {  	v0 =	vand.u32 $0x1, v0;
	[tilespmem:v5+s8+$0x0] =	vst.idx.msk $0xffff, v9;
	v5 =	vcvt.s32.f32 v11  }
0xef: {  	v0 =	vcvt.s32.f32 v0;
	[tilespmem:v7+s8+$0x0] =	vst.idx.msk $0xffff, v10  }
0xf0: {  	[tilespmem:v8+s8+$0x0] =	vst.idx.msk $0xffff, v5  }
0xf1: {  	[tilespmem:v6+s8+$0x0] =	vst.idx.msk $0xffff, v0  }
0xf2: {  	v0 =	vld [tilespmem:s13+$0xFFFFFFD0];
	_ =	sdelay $0x2  }
0xf3: {  	v5 =	vadd.s32 $0x800, v18  }
0xf4: {  	v6 =	vor.u32 v56, v5;
	v7 =	vor.u32 v57, v5;
	v8 =	vor.u32 v45, v5  }
0xf5: {  	v9 =	vor.u32 v54, v5;
	v10 =	vor.u32 v55, v5;
	v11 =	vshrl.u32 v0, $0x5  }
0xf6: {  	v5 =	vor.u32 v58, v5;
	v12 =	vshrl.u32 v0, $0x4;
	v11 =	vand.u32 $0x1, v11  }
0xf7: {  	v13 =	vshrl.u32 v0, $0x3;
	v12 =	vand.u32 $0x1, v12;
	v11 =	vcvt.s32.f32 v11  }
0xf8: {  	v14 =	vshrl.u32 v0, $0x2;
	v13 =	vand.u32 $0x1, v13;
	v12 =	vcvt.s32.f32 v12  }
0xf9: {  	v15 =	vshrl.u32 v0, $0x1;
	v14 =	vand.u32 $0x1, v14;
	[tilespmem:v8+s8+$0x0] =	vst.idx.msk $0xffff, v11;
	v8 =	vcvt.s32.f32 v13  }
0xfa: {  	v11 =	vand.u32 $0x1, v15;
	[tilespmem:v9+s8+$0x0] =	vst.idx.msk $0xffff, v12;
	v9 =	vcvt.s32.f32 v14  }
0xfb: {  	v0 =	vand.u32 $0x1, v0;
	[tilespmem:v10+s8+$0x0] =	vst.idx.msk $0xffff, v8;
	v8 =	vcvt.s32.f32 v11  }
0xfc: {  	v0 =	vcvt.s32.f32 v0;
	[tilespmem:v6+s8+$0x0] =	vst.idx.msk $0xffff, v9  }
0xfd: {  	[tilespmem:v7+s8+$0x0] =	vst.idx.msk $0xffff, v8  }
0xfe: {  	[tilespmem:v5+s8+$0x0] =	vst.idx.msk $0xffff, v0  }
0xff: {  	v0 =	vld [tilespmem:s13+$0xFFFFFFE0];
	_ =	sdelay $0x3  }
0x100: {  	v6 =	vadd.s32 v62, v18;
	v9 =	vadd.s32 v60, v18;
	v7 =	vadd.s32 v44, v18  }
0x101: {  	v8 =	vadd.s32 v59, v18;
	v5 =	vadd.s32 v61, v18;
	v10 =	vshrl.u32 v0, $0x5  }
0x102: {  	v11 =	vshrl.u32 v0, $0x4;
	v12 =	vshrl.u32 v0, $0x3;
	v10 =	vand.u32 $0x1, v10  }
0x103: {  	v13 =	vshrl.u32 v0, $0x2;
	v11 =	vand.u32 $0x1, v11;
	v10 =	vcvt.s32.f32 v10  }
0x104: {  	v14 =	vshrl.u32 v0, $0x1;
	v12 =	vand.u32 $0x1, v12;
	v11 =	vcvt.s32.f32 v11  }
0x105: {  	v13 =	vand.u32 $0x1, v13;
	[tilespmem:v7+s8+$0x0] =	vst.idx.msk $0xffff, v10;
	v7 =	vcvt.s32.f32 v12;
	v10 =	vadd.s32 v63, v18  }
0x106: {  	v12 =	vand.u32 $0x1, v14;
	[tilespmem:v8+s8+$0x0] =	vst.idx.msk $0xffff, v11;
	v8 =	vcvt.s32.f32 v13  }
0x107: {  	v0 =	vand.u32 $0x1, v0;
	[tilespmem:v9+s8+$0x0] =	vst.idx.msk $0xffff, v7;
	v7 =	vcvt.s32.f32 v12  }
0x108: {  	v0 =	vcvt.s32.f32 v0;
	[tilespmem:v5+s8+$0x0] =	vst.idx.msk $0xffff, v8  }
0x109: {  	[tilespmem:v6+s8+$0x0] =	vst.idx.msk $0xffff, v7  }
0x10a: {  	[tilespmem:v10+s8+$0x0] =	vst.idx.msk $0xffff, v0  }
0x10b: {  	v0 =	vld [tilespmem:s13+$0xFFFFFFF0];
	_ =	sdelay $0x2  }
0x10c: {  	v5 =	vadd.s32 v52, v18;
	v6 =	vadd.s32 v3, v18  }
0x10d: {  	v9 =	vor.u32 v1, v5;
	v5 =	vor.u32 v2, v5;
	v7 =	vor.u32 v20, v6  }
0x10e: {  	v8 =	vor.u32 v17, v6;
	v10 =	vor.u32 v4, v6;
	v11 =	vshrl.u32 v0, $0x5  }
0x10f: {  	v6 =	vor.u32 v19, v6;
	v12 =	vshrl.u32 v0, $0x4;
	v11 =	vand.u32 $0x1, v11  }
0x110: {  	v13 =	vshrl.u32 v0, $0x3;
	v12 =	vand.u32 $0x1, v12;
	v11 =	vcvt.s32.f32 v11  }
0x111: {  	v14 =	vshrl.u32 v0, $0x2;
	v13 =	vand.u32 $0x1, v13;
	v12 =	vcvt.s32.f32 v12  }
0x112: {  	v15 =	vshrl.u32 v0, $0x1;
	v14 =	vand.u32 $0x1, v14;
	[tilespmem:v9+s8+$0x0] =	vst.idx.msk $0xffff, v11;
	v9 =	vcvt.s32.f32 v13  }
0x113: {  	v11 =	vand.u32 $0x1, v15;
	[tilespmem:v5+s8+$0x0] =	vst.idx.msk $0xffff, v12;
	v5 =	vcvt.s32.f32 v14  }
0x114: {  	v0 =	vand.u32 $0x1, v0;
	[tilespmem:v10+s8+$0x0] =	vst.idx.msk $0xffff, v9;
	v9 =	vcvt.s32.f32 v11  }
0x115: {  	v0 =	vcvt.s32.f32 v0;
	[tilespmem:v7+s8+$0x0] =	vst.idx.msk $0xffff, v5  }
0x116: {  	[tilespmem:v8+s8+$0x0] =	vst.idx.msk $0xffff, v9  }
0x117: {  	[tilespmem:v6+s8+$0x0] =	vst.idx.msk $0xffff, v0  }
0x118: {  	v0 =	vld [tilespmem:s13+$0x0];
	_ =	sdelay $0x3  }
0x119: {  	v5 =	vadd.s32 v25, v18;
	v7 =	vadd.s32 v23, v18;
	v8 =	vadd.s32 v30, v18  }
0x11a: {  	v9 =	vadd.s32 v24, v18;
	v6 =	vadd.s32 v26, v18;
	v10 =	vshrl.u32 v0, $0x5  }
0x11b: {  	v11 =	vshrl.u32 v0, $0x4;
	v12 =	vshrl.u32 v0, $0x3;
	v10 =	vand.u32 $0x1, v10  }
0x11c: {  	v13 =	vshrl.u32 v0, $0x2;
	v11 =	vand.u32 $0x1, v11;
	v10 =	vcvt.s32.f32 v10  }
0x11d: {  	v14 =	vshrl.u32 v0, $0x1;
	v12 =	vand.u32 $0x1, v12;
	v11 =	vcvt.s32.f32 v11  }
0x11e: {  	v13 =	vand.u32 $0x1, v13;
	[tilespmem:v7+s8+$0x0] =	vst.idx.msk $0xffff, v10;
	v7 =	vcvt.s32.f32 v12;
	v10 =	vadd.s32 v27, v18  }
0x11f: {  	v12 =	vand.u32 $0x1, v14;
	[tilespmem:v8+s8+$0x0] =	vst.idx.msk $0xffff, v11;
	v8 =	vcvt.s32.f32 v13  }
0x120: {  	v0 =	vand.u32 $0x1, v0;
	[tilespmem:v9+s8+$0x0] =	vst.idx.msk $0xffff, v7;
	v7 =	vcvt.s32.f32 v12  }
0x121: {  	v0 =	vcvt.s32.f32 v0;
	[tilespmem:v5+s8+$0x0] =	vst.idx.msk $0xffff, v8  }
0x122: {  	[tilespmem:v6+s8+$0x0] =	vst.idx.msk $0xffff, v7  }
0x123: {  	[tilespmem:v10+s8+$0x0] =	vst.idx.msk $0xffff, v0  }
0x124: {  	v0 =	vld [tilespmem:s13+$0x10];
	_ =	sdelay $0x3  }
0x125: {  	v7 =	vadd.s32 v46, v18  }
0x126: {  	v9 =	vadd.s32 v21, v18;
	v8 =	vadd.s32 v28, v18;
	v10 =	vshrl.u32 v0, $0x5  }
0x127: {  	v5 =	vadd.s32 v22, v18;
	v11 =	vshrl.u32 v0, $0x4;
	v10 =	vand.u32 $0x1, v10  }
0x128: {  	v12 =	vshrl.u32 v0, $0x3;
	v11 =	vand.u32 $0x1, v11;
	v10 =	vcvt.s32.f32 v10  }
0x129: {  	v13 =	vshrl.u32 v0, $0x2;
	v12 =	vand.u32 $0x1, v12;
	v11 =	vcvt.s32.f32 v11  }
0x12a: {  	v13 =	vand.u32 $0x1, v13;
	[tilespmem:v7+s8+$0x0] =	vst.idx.msk $0xffff, v10;
	v7 =	vcvt.s32.f32 v12  }
0x12b: {  	[tilespmem:v8+s8+$0x0] =	vst.idx.msk $0xffff, v11;
	v8 =	vcvt.s32.f32 v13  }
0x12c: {  	v10 =	vld [tilespmem:$0x1FEA0];
	[tilespmem:v9+s8+$0x0] =	vst.idx.msk $0xffff, v7  }
0x12d: {  	[tilespmem:v5+s8+$0x0] =	vst.idx.msk $0xffff, v8;
	v5 =	vadd.s32 $0x1804, v31  }
0x12e: {  	[tilespmem:$0x1FDC0] =	vst v5;
	v8 =	vadd.s32 v5, v18;
	v5 =	vld [tilespmem:$0x1FF70];
	_ =	sdelay $0x1  }
0x12f: {  	v6 =	vadd.s32 v16, v18  }
0x130: {  	v14 =	vshrl.u32 v0, $0x1;
	v10 =	vadd.s32 v10, v18  }
0x131: {  	v12 =	vand.u32 $0x1, v14  }
0x132: {  	v0 =	vand.u32 $0x1, v0;
	v7 =	vcvt.s32.f32 v12;
	v9 =	vadd.s32 v5, v18;
	v5 =	vld [tilespmem:$0x1FF80]  }
0x133: {  	v0 =	vcvt.s32.f32 v0  }
0x134: {  	[tilespmem:v6+s8+$0x0] =	vst.idx.msk $0xffff, v7  }
0x135: {  	s14 =	sand.u32 $0x3FF8, s12;
	[tilespmem:v10+s8+$0x0] =	vst.idx.msk $0xffff, v0  }
0x136: {  	v0 =	vld [tilespmem:s14+$0x80]  }
0x137: {  	v7 =	vadd.s32 v5, v18;
	v5 =	vld [tilespmem:$0x1FF90];
	_ =	sdelay $0x3  }
0x138: {  	v6 =	vadd.s32 v29, v18;
	v12 =	vshrl.u32 v0, $0x5  }
0x139: {  	v13 =	vshrl.u32 v0, $0x4;
	v12 =	vand.u32 $0x1, v12;
	v11 =	vadd.s32 v5, v18  }
0x13a: {  	v14 =	vshrl.u32 v0, $0x3;
	v13 =	vand.u32 $0x1, v13;
	v12 =	vcvt.s32.f32 v12  }
0x13b: {  	v15 =	vshrl.u32 v0, $0x2;
	v14 =	vand.u32 $0x1, v14;
	v13 =	vcvt.s32.f32 v13  }
0x13c: {  	v15 =	vand.u32 $0x1, v15;
	v5 =	vshrl.u32 v0, $0x1;
	[tilespmem:v9+s8+$0x0] =	vst.idx.msk $0xffff, v12;
	v9 =	vcvt.s32.f32 v14  }
0x13d: {  	v14 =	vand.u32 $0x1, v5;
	v5 =	vcvt.s32.f32 v15;
	[tilespmem:v7+s8+$0x0] =	vst.idx.msk $0xffff, v13  }
0x13e: {  	[tilespmem:v11+s8+$0x0] =	vst.idx.msk $0xffff, v9  }
0x13f: {  	[tilespmem:v6+s8+$0x0] =	vst.idx.msk $0xffff, v5;
	v5 =	vld [tilespmem:$0x1FEE0];
	_ =	sdelay $0x4  }
0x140: {  	v6 =	vadd.s32 v5, v18;
	v5 =	vld [tilespmem:$0x1FEF0];
	_ =	sdelay $0x2  }
0x141: {  	v9 =	vcvt.s32.f32 v14;
	_ =	sdelay $0x1  }
0x142: {  	[tilespmem:v8+s8+$0x0] =	vst.idx.msk $0xffff, v9;
	v8 =	vadd.s32 v5, v18;
	v5 =	vld [tilespmem:$0x1FEB0];
	_ =	sdelay $0x1  }
0x143: {  	v17 =	vmov v30;
	v30 =	vadd.s32 $0x1805, v31  }
0x144: {  	v12 =	vadd.s32 v30, v18;
	_ =	sdelay $0x1  }
0x145: {  	v0 =	vand.u32 $0x1, v0;
	v9 =	vadd.s32 v5, v18;
	v5 =	vld [tilespmem:$0x1FEC0]  }
0x146: {  	v0 =	vcvt.s32.f32 v0;
	_ =	sdelay $0x1  }
0x147: {  	[tilespmem:v12+s8+$0x0] =	vst.idx.msk $0xffff, v0  }
0x148: {  	v0 =	vld [tilespmem:s13+$0x30]  }
0x149: {  	v20 =	vadd.s32 v5, v18;
	v5 =	vld [tilespmem:$0x1FED0];
	_ =	sdelay $0x4  }
0x14a: {  	v12 =	vshrl.u32 v0, $0x5;
	v11 =	vadd.s32 v5, v18;
	v5 =	vld [tilespmem:$0x1FF00]  }
0x14b: {  	v13 =	vshrl.u32 v0, $0x4;
	v12 =	vand.u32 $0x1, v12  }
0x14c: {  	v14 =	vshrl.u32 v0, $0x3;
	v13 =	vand.u32 $0x1, v13;
	v12 =	vcvt.s32.f32 v12  }
0x14d: {  	v15 =	vshrl.u32 v0, $0x2;
	v14 =	vand.u32 $0x1, v14;
	v13 =	vcvt.s32.f32 v13  }
0x14e: {  	v15 =	vand.u32 $0x1, v15;
	[tilespmem:v9+s8+$0x0] =	vst.idx.msk $0xffff, v12;
	v9 =	vcvt.s32.f32 v14  }
0x14f: {  	[tilespmem:v20+s8+$0x0] =	vst.idx.msk $0xffff, v13;
	v12 =	vadd.s32 v5, v18;
	v5 =	vcvt.s32.f32 v15  }
0x150: {  	[tilespmem:v11+s8+$0x0] =	vst.idx.msk $0xffff, v9  }
0x151: {  	[tilespmem:v6+s8+$0x0] =	vst.idx.msk $0xffff, v5;
	v5 =	vld [tilespmem:$0x1FF40];
	_ =	sdelay $0x4  }
0x152: {  	v6 =	vadd.s32 v5, v18;
	v5 =	vld [tilespmem:$0x1FF50]  }
0x153: {  	v7 =	vshrl.u32 v0, $0x1  }
0x154: {  	v14 =	vand.u32 $0x1, v7  }
0x155: {  	v9 =	vcvt.s32.f32 v14;
	_ =	sdelay $0x1  }
0x156: {  	[tilespmem:v8+s8+$0x0] =	vst.idx.msk $0xffff, v9;
	v8 =	vadd.s32 v5, v18;
	v5 =	vld [tilespmem:$0x1FF10];
	_ =	sdelay $0x4  }
0x157: {  	v9 =	vadd.s32 v5, v18;
	v5 =	vld [tilespmem:$0x1FF20];
	_ =	sdelay $0x1  }
0x158: {  	v0 =	vand.u32 $0x1, v0  }
0x159: {  	v0 =	vcvt.s32.f32 v0;
	_ =	sdelay $0x1  }
0x15a: {  	[tilespmem:v12+s8+$0x0] =	vst.idx.msk $0xffff, v0;
	v20 =	vadd.s32 v5, v18;
	v5 =	vld [tilespmem:$0x1FF30]  }
0x15b: {  	v0 =	vld [tilespmem:s13+$0x40];
	_ =	sdelay $0x3  }
0x15c: {  	v11 =	vadd.s32 v5, v18;
	v5 =	vld [tilespmem:$0x1FF60]  }
0x15d: {  	v12 =	vshrl.u32 v0, $0x5  }
0x15e: {  	v13 =	vshrl.u32 v0, $0x4;
	v14 =	vshrl.u32 v0, $0x3;
	v12 =	vand.u32 $0x1, v12  }
0x15f: {  	v15 =	vshrl.u32 v0, $0x2;
	v13 =	vand.u32 $0x1, v13;
	v12 =	vcvt.s32.f32 v12  }
0x160: {  	v7 =	vshrl.u32 v0, $0x1;
	v14 =	vand.u32 $0x1, v14;
	v13 =	vcvt.s32.f32 v13  }
0x161: {  	v15 =	vand.u32 $0x1, v15;
	[tilespmem:v9+s8+$0x0] =	vst.idx.msk $0xffff, v12;
	v9 =	vcvt.s32.f32 v14;
	v12 =	vadd.s32 v5, v18  }
0x162: {  	v14 =	vand.u32 $0x1, v7;
	[tilespmem:v20+s8+$0x0] =	vst.idx.msk $0xffff, v13;
	v5 =	vcvt.s32.f32 v15  }
0x163: {  	v0 =	vand.u32 $0x1, v0;
	[tilespmem:v11+s8+$0x0] =	vst.idx.msk $0xffff, v9;
	v9 =	vcvt.s32.f32 v14  }
0x164: {  	v0 =	vcvt.s32.f32 v0;
	[tilespmem:v6+s8+$0x0] =	vst.idx.msk $0xffff, v5  }
0x165: {  	[tilespmem:v8+s8+$0x0] =	vst.idx.msk $0xffff, v9  }
0x166: {  	[tilespmem:v12+s8+$0x0] =	vst.idx.msk $0xffff, v0  }
0x167: {  	v12 =	vld [tilespmem:s13+$0x50]  }
0x168: {  	v5 =	vadd.s32 $0x2021, v31  }
0x169: {  	v7 =	vadd.s32 $0x2025, v31;
	v8 =	vadd.s32 $0x2024, v31;
	[tilespmem:$0x1FE10] =	vst v5  }
0x16a: {  	v6 =	vadd.s32 $0x2022, v31;
	v9 =	vadd.s32 $0x2020, v31;
	[tilespmem:$0x1FDF0] =	vst v8;
	v0 =	vadd.s32 $0x2023, v31  }
0x16b: {  	v5 =	vadd.s32 v5, v18;
	[tilespmem:$0x1FDE0] =	vst v0;
	v10 =	vadd.s32 v0, v18;
	v0 =	vadd.s32 v9, v18  }
0x16c: {  	v8 =	vadd.s32 v8, v18;
	[tilespmem:$0x1FE00] =	vst v9;
	v9 =	vadd.s32 v6, v18;
	v19 =	vshrl.u32 v12, $0x5  }
0x16d: {  	v20 =	vshrl.u32 v12, $0x4;
	v13 =	vshrl.u32 v12, $0x3;
	v19 =	vand.u32 $0x1, v19  }
0x16e: {  	[tilespmem:$0x1FE20] =	vst v6;
	v6 =	vshrl.u32 v12, $0x1;
	v20 =	vand.u32 $0x1, v20;
	v19 =	vcvt.s32.f32 v19  }
0x16f: {  	[tilespmem:$0x1FE30] =	vst v7;
	v15 =	vand.u32 $0x1, v13;
	v13 =	vshrl.u32 v12, $0x2;
	v20 =	vcvt.s32.f32 v20  }
0x170: {  	v13 =	vand.u32 $0x1, v13;
	v15 =	vcvt.s32.f32 v15;
	[tilespmem:v0+s8+$0x0] =	vst.idx.msk $0xffff, v19;
	v0 =	vadd.s32 v7, v18  }
0x171: {  	v6 =	vand.u32 $0x1, v6;
	v13 =	vcvt.s32.f32 v13;
	[tilespmem:v5+s8+$0x0] =	vst.idx.msk $0xffff, v20  }
0x172: {  	v7 =	vand.u32 $0x1, v12;
	v5 =	vcvt.s32.f32 v6;
	[tilespmem:v9+s8+$0x0] =	vst.idx.msk $0xffff, v15  }
0x173: {  	v6 =	vcvt.s32.f32 v7;
	[tilespmem:v10+s8+$0x0] =	vst.idx.msk $0xffff, v13  }
0x174: {  	[tilespmem:v8+s8+$0x0] =	vst.idx.msk $0xffff, v5  }
0x175: {  	[tilespmem:v0+s8+$0x0] =	vst.idx.msk $0xffff, v6  }
0x176: {  	v19 =	vld [tilespmem:s13+$0x60]  }
0x177: {  	v7 =	vadd.s32 $0x2403, v31  }
0x178: {  	[tilespmem:$0x1FE40] =	vst v7;
	v8 =	vadd.s32 $0x2404, v31  }
0x179: {  	v7 =	vadd.s32 v7, v18;
	v6 =	vor.u32 $0x2400, v31;
	[tilespmem:$0x1FE60] =	vst v8  }
0x17a: {  	v5 =	vadd.s32 $0x2402, v31;
	v0 =	vor.u32 $0x2401, v31;
	[tilespmem:$0x1FE50] =	vst v6;
	v9 =	vadd.s32 v6, v18  }
0x17b: {  	v6 =	vadd.s32 v8, v18;
	[tilespmem:$0x1FE70] =	vst v0;
	v8 =	vadd.s32 v0, v18;
	v0 =	vshrl.u32 v19, $0x5  }
0x17c: {  	[tilespmem:$0x1FE80] =	vst v5;
	v5 =	vadd.s32 v5, v18;
	v20 =	vshrl.u32 v19, $0x4;
	v0 =	vand.u32 $0x1, v0  }
0x17d: {  	v10 =	vshrl.u32 v19, $0x3;
	v20 =	vand.u32 $0x1, v20;
	v0 =	vcvt.s32.f32 v0  }
0x17e: {  	[tilespmem:$0x1FDD0] =	vst v30;
	v12 =	vshrl.u32 v19, $0x2;
	v10 =	vand.u32 $0x1, v10;
	v11 =	vcvt.s32.f32 v20  }
0x17f: {  	v20 =	vand.u32 $0x1, v12;
	[tilespmem:v9+s8+$0x0] =	vst.idx.msk $0xff, v0;
	v9 =	vcvt.s32.f32 v10  }
0x180: {  	v20 =	vcvt.s32.f32 v20;
	v0 =	vshrl.u32 v19, $0x1;
	[tilespmem:v8+s8+$0x0] =	vst.idx.msk $0xff, v11  }
0x181: {  	v0 =	vand.u32 $0x1, v0;
	[tilespmem:v5+s8+$0x0] =	vst.idx.msk $0xff, v9  }
0x182: {  	v16 =	vmovc v22;
	v14 =	vmovc v28;
	v15 =	vmov v23;
	v5 =	vcvt.s32.f32 v0;
	v0 =	vadd.s32 $0x2405, v31;
	[tilespmem:v7+s8+$0x0] =	vst.idx.msk $0xff, v20  }
0x183: {  	v13 =	vmovc v17;
	v17 =	vmovc v21;
	v12 =	vmov v25;
	v19 =	vand.u32 $0x1, v19;
	v10 =	vmov v27;
	[tilespmem:$0x1FE90] =	vst v0  }
0x184: {  	s16 =	simm.s32 $0x2;
	s14 =	simm.s32 $0x1;
	v19 =	vcvt.s32.f32 v19;
	v11 =	vld [tilespmem:$0x1FFF0];
	v8 =	vmovc v24;
	v18 =	vadd.s32 v0, v18;
	[tilespmem:v6+s8+$0x0] =	vst.idx.msk $0xff, v5;
	v9 =	vmov v26  }
.LBB2_3:
0x185: {  	_ =	sdelay $0x3  }
0x186: {  	v20 =	vmov s14;
	s13 =	sadd.s32 $0xC8, s13;
	[tilespmem:v18+s8+$0x0] =	vst.idx.msk $0xff, v19  }
0x187: {  	v18 =	vshrl.u32 v20, $0x3;
	v19 =	vld [tilespmem:s13+$0xFFFFFFA0]  }
0x188: {  	v20 =	vshll.u32 v20, $0x7;
	v18 =	vmul.u32 $0x2800, v18  }
0x189: {  	v20 =	vand.u32 $0x380, v20  }
0x18a: {  	v18 =	vor.u32 v20, v18  }
0x18b: {  	v20 =	vor.u32 v31, v18;
	v21 =	vor.u32 v35, v18;
	v22 =	vor.u32 v36, v18  }
0x18c: {  	v25 =	vor.u32 v32, v18;
	v26 =	vor.u32 v33, v18;
	v23 =	vshrl.u32 v19, $0x5  }
0x18d: {  	v28 =	vor.u32 v34, v18;
	v24 =	vshrl.u32 v19, $0x4;
	v23 =	vand.u32 $0x1, v23  }
0x18e: {  	v27 =	vshrl.u32 v19, $0x3;
	v24 =	vand.u32 $0x1, v24;
	v23 =	vcvt.s32.f32 v23  }
0x18f: {  	v29 =	vshrl.u32 v19, $0x2;
	v27 =	vand.u32 $0x1, v27;
	v24 =	vcvt.s32.f32 v24  }
0x190: {  	[tilespmem:v20+s8+$0x0] =	vst.idx.msk $0xffff, v23;
	v20 =	vcvt.s32.f32 v27;
	v23 =	vand.u32 $0x1, v29;
	v27 =	vshrl.u32 v19, $0x1  }
0x191: {  	[tilespmem:v25+s8+$0x0] =	vst.idx.msk $0xffff, v24;
	v23 =	vcvt.s32.f32 v23;
	v24 =	vand.u32 $0x1, v27  }
0x192: {  	v19 =	vand.u32 $0x1, v19;
	[tilespmem:v26+s8+$0x0] =	vst.idx.msk $0xffff, v20;
	v24 =	vcvt.s32.f32 v24  }
0x193: {  	[tilespmem:v28+s8+$0x0] =	vst.idx.msk $0xffff, v23;
	v23 =	vcvt.s32.f32 v19  }
0x194: {  	[tilespmem:v21+s8+$0x0] =	vst.idx.msk $0xffff, v24  }
0x195: {  	[tilespmem:v22+s8+$0x0] =	vst.idx.msk $0xffff, v23  }
0x196: {  	v21 =	vld [tilespmem:s13+$0xFFFFFFB0]  }
0x197: {  	v7 =	vmov v4  }
0x198: {  	v4 =	vmovc v52;
	v0 =	vmovc v36;
	v5 =	vmov v62;
	v62 =	vmov v59;
	v59 =	vmov v57  }
0x199: {  	v57 =	vmovc v55;
	v55 =	vmovc v45;
	v45 =	vmov v41;
	v29 =	vor.u32 v39, v18;
	v26 =	vadd.s32 v43, v18  }
0x19a: {  	v36 =	vmovc v32;
	v20 =	vadd.s32 v52, v18;
	v28 =	vor.u32 v38, v18;
	v24 =	vor.u32 v37, v18  }
0x19b: {  	v52 =	vmovc v43;
	v43 =	vmovc v39;
	v22 =	vor.u32 v40, v18;
	v23 =	vor.u32 v41, v18;
	v30 =	vshrl.u32 v21, $0x5  }
0x19c: {  	v39 =	vmovc v35;
	v35 =	vmovc v31;
	v31 =	vshrl.u32 v21, $0x4;
	v32 =	vshrl.u32 v21, $0x3;
	v30 =	vand.u32 $0x1, v30  }
0x19d: {  	v41 =	vmovc v37;
	v37 =	vmovc v33;
	v33 =	vshrl.u32 v21, $0x2;
	v31 =	vand.u32 $0x1, v31;
	v30 =	vcvt.s32.f32 v30  }
0x19e: {  	v6 =	vmovc v38;
	v38 =	vmovc v34;
	v34 =	vshrl.u32 v21, $0x1;
	v32 =	vand.u32 $0x1, v32;
	v31 =	vcvt.s32.f32 v31  }
0x19f: {  	v33 =	vand.u32 $0x1, v33;
	[tilespmem:v24+s8+$0x0] =	vst.idx.msk $0xffff, v30;
	v24 =	vcvt.s32.f32 v32;
	v30 =	vor.u32 v11, v18  }
0x1a0: {  	v34 =	vand.u32 $0x1, v34;
	[tilespmem:v28+s8+$0x0] =	vst.idx.msk $0xffff, v31;
	v28 =	vcvt.s32.f32 v33  }
0x1a1: {  	v21 =	vand.u32 $0x1, v21;
	[tilespmem:v29+s8+$0x0] =	vst.idx.msk $0xffff, v24;
	v24 =	vcvt.s32.f32 v34  }
0x1a2: {  	v21 =	vcvt.s32.f32 v21;
	[tilespmem:v22+s8+$0x0] =	vst.idx.msk $0xffff, v28  }
0x1a3: {  	[tilespmem:v23+s8+$0x0] =	vst.idx.msk $0xffff, v24  }
0x1a4: {  	[tilespmem:v30+s8+$0x0] =	vst.idx.msk $0xffff, v21  }
0x1a5: {  	v21 =	vld [tilespmem:s13+$0xFFFFFFC0];
	_ =	sdelay $0x2  }
0x1a6: {  	v25 =	vadd.s32 v42, v18  }
0x1a7: {  	v22 =	vor.u32 v50, v25;
	v28 =	vor.u32 v48, v25;
	v24 =	vor.u32 v47, v25  }
0x1a8: {  	v23 =	vor.u32 v51, v26;
	v25 =	vor.u32 v49, v25;
	v29 =	vshrl.u32 v21, $0x5  }
0x1a9: {  	v26 =	vor.u32 v53, v26;
	v30 =	vshrl.u32 v21, $0x4;
	v29 =	vand.u32 $0x1, v29  }
0x1aa: {  	v31 =	vshrl.u32 v21, $0x3;
	v30 =	vand.u32 $0x1, v30;
	v29 =	vcvt.s32.f32 v29  }
0x1ab: {  	v32 =	vshrl.u32 v21, $0x2;
	v31 =	vand.u32 $0x1, v31;
	v30 =	vcvt.s32.f32 v30  }
0x1ac: {  	v33 =	vshrl.u32 v21, $0x1;
	v32 =	vand.u32 $0x1, v32;
	[tilespmem:v24+s8+$0x0] =	vst.idx.msk $0xffff, v29;
	v24 =	vcvt.s32.f32 v31  }
0x1ad: {  	v33 =	vand.u32 $0x1, v33;
	[tilespmem:v28+s8+$0x0] =	vst.idx.msk $0xffff, v30;
	v28 =	vcvt.s32.f32 v32  }
0x1ae: {  	v21 =	vand.u32 $0x1, v21;
	[tilespmem:v25+s8+$0x0] =	vst.idx.msk $0xffff, v24;
	v24 =	vcvt.s32.f32 v33  }
0x1af: {  	v21 =	vcvt.s32.f32 v21;
	[tilespmem:v22+s8+$0x0] =	vst.idx.msk $0xffff, v28  }
0x1b0: {  	[tilespmem:v23+s8+$0x0] =	vst.idx.msk $0xffff, v24  }
0x1b1: {  	[tilespmem:v26+s8+$0x0] =	vst.idx.msk $0xffff, v21  }
0x1b2: {  	v21 =	vld [tilespmem:s13+$0xFFFFFFD0];
	_ =	sdelay $0x1  }
0x1b3: {  	v27 =	vadd.s32 $0x800, v18  }
0x1b4: {  	v33 =	vmovc v37;
	v37 =	vmovc v41;
	v41 =	vmov v45;
	v45 =	vmov v55;
	v55 =	vmov v57  }
0x1b5: {  	v57 =	vmovc v59;
	v25 =	vor.u32 v54, v27;
	v22 =	vor.u32 v56, v27;
	v24 =	vor.u32 v45, v27  }
0x1b6: {  	v23 =	vor.u32 v57, v27;
	v26 =	vor.u32 v55, v27;
	v28 =	vshrl.u32 v21, $0x5  }
0x1b7: {  	v27 =	vor.u32 v58, v27;
	v29 =	vshrl.u32 v21, $0x4;
	v28 =	vand.u32 $0x1, v28  }
0x1b8: {  	v30 =	vshrl.u32 v21, $0x3;
	v29 =	vand.u32 $0x1, v29;
	v28 =	vcvt.s32.f32 v28  }
0x1b9: {  	v31 =	vshrl.u32 v21, $0x2;
	v30 =	vand.u32 $0x1, v30;
	v29 =	vcvt.s32.f32 v29  }
0x1ba: {  	v32 =	vshrl.u32 v21, $0x1;
	v31 =	vand.u32 $0x1, v31;
	[tilespmem:v24+s8+$0x0] =	vst.idx.msk $0xffff, v28;
	v24 =	vcvt.s32.f32 v30  }
0x1bb: {  	v32 =	vand.u32 $0x1, v32;
	[tilespmem:v25+s8+$0x0] =	vst.idx.msk $0xffff, v29;
	v25 =	vcvt.s32.f32 v31  }
0x1bc: {  	v21 =	vand.u32 $0x1, v21;
	[tilespmem:v26+s8+$0x0] =	vst.idx.msk $0xffff, v24;
	v24 =	vcvt.s32.f32 v32  }
0x1bd: {  	v21 =	vcvt.s32.f32 v21;
	[tilespmem:v22+s8+$0x0] =	vst.idx.msk $0xffff, v25  }
0x1be: {  	[tilespmem:v23+s8+$0x0] =	vst.idx.msk $0xffff, v24  }
0x1bf: {  	[tilespmem:v27+s8+$0x0] =	vst.idx.msk $0xffff, v21  }
0x1c0: {  	v21 =	vld [tilespmem:s13+$0xFFFFFFE0];
	_ =	sdelay $0x2  }
0x1c1: {  	v59 =	vmov v62  }
0x1c2: {  	v62 =	vmovc v5;
	v26 =	vadd.s32 v60, v18;
	v22 =	vadd.s32 v61, v18;
	v24 =	vadd.s32 v44, v18  }
0x1c3: {  	v25 =	vadd.s32 v59, v18;
	v23 =	vadd.s32 v62, v18;
	v27 =	vshrl.u32 v21, $0x5  }
0x1c4: {  	v28 =	vshrl.u32 v21, $0x4;
	v29 =	vshrl.u32 v21, $0x3;
	v27 =	vand.u32 $0x1, v27  }
0x1c5: {  	v30 =	vshrl.u32 v21, $0x2;
	v28 =	vand.u32 $0x1, v28;
	v27 =	vcvt.s32.f32 v27  }
0x1c6: {  	v34 =	vmovc v38;
	v31 =	vshrl.u32 v21, $0x1;
	v29 =	vand.u32 $0x1, v29;
	v28 =	vcvt.s32.f32 v28  }
0x1c7: {  	v38 =	vmovc v6;
	v6 =	vld [tilespmem:$0x1FFC0];
	v30 =	vand.u32 $0x1, v30;
	[tilespmem:v24+s8+$0x0] =	vst.idx.msk $0xffff, v27;
	v24 =	vcvt.s32.f32 v29;
	v27 =	vadd.s32 v63, v18  }
0x1c8: {  	v31 =	vand.u32 $0x1, v31;
	[tilespmem:v25+s8+$0x0] =	vst.idx.msk $0xffff, v28;
	v25 =	vcvt.s32.f32 v30  }
0x1c9: {  	v21 =	vand.u32 $0x1, v21;
	[tilespmem:v26+s8+$0x0] =	vst.idx.msk $0xffff, v24;
	v24 =	vcvt.s32.f32 v31  }
0x1ca: {  	v21 =	vcvt.s32.f32 v21;
	[tilespmem:v22+s8+$0x0] =	vst.idx.msk $0xffff, v25  }
0x1cb: {  	v19 =	vadd.s32 v3, v18;
	[tilespmem:v23+s8+$0x0] =	vst.idx.msk $0xffff, v24  }
0x1cc: {  	v22 =	vor.u32 v6, v19;
	v6 =	vld [tilespmem:$0x1FFE0];
	[tilespmem:v27+s8+$0x0] =	vst.idx.msk $0xffff, v21  }
0x1cd: {  	v21 =	vld [tilespmem:s13+$0xFFFFFFF0];
	_ =	sdelay $0x3  }
0x1ce: {  	v24 =	vor.u32 v1, v20;
	v23 =	vor.u32 v6, v19;
	v6 =	vld [tilespmem:$0x1FFD0]  }
0x1cf: {  	v25 =	vor.u32 v7, v19;
	v20 =	vor.u32 v2, v20;
	v26 =	vshrl.u32 v21, $0x5  }
0x1d0: {  	v27 =	vshrl.u32 v21, $0x4;
	v28 =	vshrl.u32 v21, $0x3;
	v26 =	vand.u32 $0x1, v26  }
0x1d1: {  	v29 =	vshrl.u32 v21, $0x2;
	v27 =	vand.u32 $0x1, v27;
	v26 =	vcvt.s32.f32 v26  }
0x1d2: {  	v30 =	vshrl.u32 v21, $0x1;
	v28 =	vand.u32 $0x1, v28;
	v27 =	vcvt.s32.f32 v27  }
0x1d3: {  	v29 =	vand.u32 $0x1, v29;
	v19 =	vor.u32 v6, v19;
	[tilespmem:v24+s8+$0x0] =	vst.idx.msk $0xffff, v26;
	v24 =	vcvt.s32.f32 v28  }
0x1d4: {  	v30 =	vand.u32 $0x1, v30;
	[tilespmem:v20+s8+$0x0] =	vst.idx.msk $0xffff, v27;
	v20 =	vcvt.s32.f32 v29  }
0x1d5: {  	v21 =	vand.u32 $0x1, v21;
	[tilespmem:v25+s8+$0x0] =	vst.idx.msk $0xffff, v24;
	v24 =	vcvt.s32.f32 v30  }
0x1d6: {  	[tilespmem:v22+s8+$0x0] =	vst.idx.msk $0xffff, v20;
	v20 =	vcvt.s32.f32 v21  }
0x1d7: {  	[tilespmem:v23+s8+$0x0] =	vst.idx.msk $0xffff, v24  }
0x1d8: {  	[tilespmem:v19+s8+$0x0] =	vst.idx.msk $0xffff, v20  }
0x1d9: {  	v19 =	vld [tilespmem:s13+$0x0];
	_ =	sdelay $0x3  }
0x1da: {  	v21 =	vadd.s32 v9, v18;
	v22 =	vadd.s32 v15, v18;
	v23 =	vadd.s32 v13, v18  }
0x1db: {  	v24 =	vadd.s32 v8, v18;
	v20 =	vadd.s32 v12, v18;
	v25 =	vshrl.u32 v19, $0x5  }
0x1dc: {  	v26 =	vshrl.u32 v19, $0x4;
	v27 =	vshrl.u32 v19, $0x3;
	v25 =	vand.u32 $0x1, v25  }
0x1dd: {  	v28 =	vshrl.u32 v19, $0x2;
	v26 =	vand.u32 $0x1, v26;
	v25 =	vcvt.s32.f32 v25  }
0x1de: {  	v29 =	vshrl.u32 v19, $0x1;
	v27 =	vand.u32 $0x1, v27;
	v26 =	vcvt.s32.f32 v26  }
0x1df: {  	v28 =	vand.u32 $0x1, v28;
	[tilespmem:v22+s8+$0x0] =	vst.idx.msk $0xffff, v25;
	v22 =	vcvt.s32.f32 v27;
	v25 =	vadd.s32 v10, v18  }
0x1e0: {  	v29 =	vand.u32 $0x1, v29;
	v27 =	vcvt.s32.f32 v28;
	[tilespmem:v23+s8+$0x0] =	vst.idx.msk $0xffff, v26  }
0x1e1: {  	v19 =	vand.u32 $0x1, v19;
	v26 =	vcvt.s32.f32 v29;
	[tilespmem:v24+s8+$0x0] =	vst.idx.msk $0xffff, v22  }
0x1e2: {  	v19 =	vcvt.s32.f32 v19;
	[tilespmem:v20+s8+$0x0] =	vst.idx.msk $0xffff, v27  }
0x1e3: {  	[tilespmem:v21+s8+$0x0] =	vst.idx.msk $0xffff, v26  }
0x1e4: {  	v6 =	vld [tilespmem:$0x1FFB0];
	[tilespmem:v25+s8+$0x0] =	vst.idx.msk $0xffff, v19  }
0x1e5: {  	v19 =	vld [tilespmem:s13+$0x10];
	_ =	sdelay $0x3  }
0x1e6: {  	v22 =	vadd.s32 v46, v18;
	v21 =	vadd.s32 v6, v18;
	v6 =	vld [tilespmem:$0x1FEA0]  }
0x1e7: {  	v25 =	vshrl.u32 v19, $0x5  }
0x1e8: {  	v23 =	vadd.s32 v14, v18;
	v24 =	vadd.s32 v17, v18;
	v25 =	vand.u32 $0x1, v25  }
0x1e9: {  	v20 =	vadd.s32 v16, v18;
	v26 =	vshrl.u32 v19, $0x4;
	v25 =	vcvt.s32.f32 v25  }
0x1ea: {  	v27 =	vshrl.u32 v19, $0x3;
	v28 =	vshrl.u32 v19, $0x2;
	v26 =	vand.u32 $0x1, v26  }
0x1eb: {  	v27 =	vand.u32 $0x1, v27;
	v26 =	vcvt.s32.f32 v26;
	[tilespmem:v22+s8+$0x0] =	vst.idx.msk $0xffff, v25;
	v25 =	vadd.s32 v6, v18;
	v6 =	vld [tilespmem:$0x1FDC0]  }
0x1ec: {  	v29 =	vshrl.u32 v19, $0x1;
	v28 =	vand.u32 $0x1, v28;
	v22 =	vcvt.s32.f32 v27  }
0x1ed: {  	v29 =	vand.u32 $0x1, v29;
	v27 =	vcvt.s32.f32 v28;
	[tilespmem:v23+s8+$0x0] =	vst.idx.msk $0xffff, v26  }
0x1ee: {  	v26 =	vcvt.s32.f32 v29;
	[tilespmem:v24+s8+$0x0] =	vst.idx.msk $0xffff, v22  }
0x1ef: {  	[tilespmem:v20+s8+$0x0] =	vst.idx.msk $0xffff, v27  }
0x1f0: {  	[tilespmem:v21+s8+$0x0] =	vst.idx.msk $0xffff, v26;
	v21 =	vadd.s32 v6, v18;
	v6 =	vld [tilespmem:$0x1FF80];
	_ =	sdelay $0x1  }
0x1f1: {  	v19 =	vand.u32 $0x1, v19  }
0x1f2: {  	v19 =	vcvt.s32.f32 v19  }
0x1f3: {  	s12 =	sadd.s32 $0xC8, s12;
	v5 =	vld [tilespmem:$0x1FF70]  }
0x1f4: {  	s31 =	sand.u32 $0x3FF8, s12;
	[tilespmem:v25+s8+$0x0] =	vst.idx.msk $0xffff, v19;
	v23 =	vadd.s32 v6, v18;
	v6 =	vld [tilespmem:$0x1FF90]  }
0x1f5: {  	v19 =	vld [tilespmem:s31+$0x80];
	_ =	sdelay $0x2  }
0x1f6: {  	v32 =	vmov v36;
	v36 =	vmov v0;
	v0 =	vld [tilespmem:$0x1FFA0]  }
0x1f7: {  	v22 =	vadd.s32 v5, v18;
	v24 =	vadd.s32 v6, v18;
	v6 =	vld [tilespmem:$0x1FDD0]  }
0x1f8: {  	v25 =	vshrl.u32 v19, $0x5  }
0x1f9: {  	v25 =	vand.u32 $0x1, v25  }
0x1fa: {  	v25 =	vcvt.s32.f32 v25  }
0x1fb: {  	v20 =	vadd.s32 v0, v18;
	v26 =	vshrl.u32 v19, $0x4  }
0x1fc: {  	v27 =	vshrl.u32 v19, $0x3;
	v26 =	vand.u32 $0x1, v26;
	[tilespmem:v22+s8+$0x0] =	vst.idx.msk $0xffff, v25;
	v25 =	vadd.s32 v6, v18;
	v6 =	vld [tilespmem:$0x1FEE0]  }
0x1fd: {  	v28 =	vshrl.u32 v19, $0x2;
	v27 =	vand.u32 $0x1, v27;
	v26 =	vcvt.s32.f32 v26  }
0x1fe: {  	v28 =	vand.u32 $0x1, v28;
	v22 =	vcvt.s32.f32 v27  }
0x1ff: {  	v27 =	vcvt.s32.f32 v28;
	[tilespmem:v23+s8+$0x0] =	vst.idx.msk $0xffff, v26  }
0x200: {  	[tilespmem:v24+s8+$0x0] =	vst.idx.msk $0xffff, v22  }
0x201: {  	[tilespmem:v20+s8+$0x0] =	vst.idx.msk $0xffff, v27;
	v20 =	vadd.s32 v6, v18;
	v6 =	vld [tilespmem:$0x1FEF0]  }
0x202: {  	v29 =	vshrl.u32 v19, $0x1  }
0x203: {  	v29 =	vand.u32 $0x1, v29  }
0x204: {  	v26 =	vcvt.s32.f32 v29;
	_ =	sdelay $0x1  }
0x205: {  	[tilespmem:v21+s8+$0x0] =	vst.idx.msk $0xffff, v26;
	v21 =	vadd.s32 v6, v18;
	v6 =	vld [tilespmem:$0x1FEB0];
	_ =	sdelay $0x4  }
0x206: {  	v22 =	vadd.s32 v6, v18;
	v6 =	vld [tilespmem:$0x1FEC0];
	_ =	sdelay $0x1  }
0x207: {  	v19 =	vand.u32 $0x1, v19  }
0x208: {  	v19 =	vcvt.s32.f32 v19;
	_ =	sdelay $0x1  }
0x209: {  	[tilespmem:v25+s8+$0x0] =	vst.idx.msk $0xffff, v19;
	v23 =	vadd.s32 v6, v18;
	v6 =	vld [tilespmem:$0x1FED0]  }
0x20a: {  	v19 =	vld [tilespmem:s13+$0x30];
	_ =	sdelay $0x3  }
0x20b: {  	v24 =	vadd.s32 v6, v18;
	v6 =	vld [tilespmem:$0x1FF00]  }
0x20c: {  	v25 =	vshrl.u32 v19, $0x5  }
0x20d: {  	v25 =	vand.u32 $0x1, v25  }
0x20e: {  	v25 =	vcvt.s32.f32 v25  }
0x20f: {  	v26 =	vshrl.u32 v19, $0x4  }
0x210: {  	v27 =	vshrl.u32 v19, $0x3;
	v26 =	vand.u32 $0x1, v26;
	[tilespmem:v22+s8+$0x0] =	vst.idx.msk $0xffff, v25;
	v25 =	vadd.s32 v6, v18;
	v6 =	vld [tilespmem:$0x1FF40]  }
0x211: {  	v28 =	vshrl.u32 v19, $0x2;
	v27 =	vand.u32 $0x1, v27;
	v26 =	vcvt.s32.f32 v26  }
0x212: {  	v28 =	vand.u32 $0x1, v28;
	v22 =	vcvt.s32.f32 v27  }
0x213: {  	v27 =	vcvt.s32.f32 v28;
	[tilespmem:v23+s8+$0x0] =	vst.idx.msk $0xffff, v26  }
0x214: {  	[tilespmem:v24+s8+$0x0] =	vst.idx.msk $0xffff, v22  }
0x215: {  	[tilespmem:v20+s8+$0x0] =	vst.idx.msk $0xffff, v27;
	v20 =	vadd.s32 v6, v18;
	v6 =	vld [tilespmem:$0x1FF50]  }
0x216: {  	v29 =	vshrl.u32 v19, $0x1  }
0x217: {  	v29 =	vand.u32 $0x1, v29  }
0x218: {  	v26 =	vcvt.s32.f32 v29;
	_ =	sdelay $0x1  }
0x219: {  	[tilespmem:v21+s8+$0x0] =	vst.idx.msk $0xffff, v26;
	v21 =	vadd.s32 v6, v18;
	v6 =	vld [tilespmem:$0x1FF10];
	_ =	sdelay $0x4  }
0x21a: {  	v22 =	vadd.s32 v6, v18;
	v6 =	vld [tilespmem:$0x1FF20];
	_ =	sdelay $0x1  }
0x21b: {  	v19 =	vand.u32 $0x1, v19  }
0x21c: {  	v19 =	vcvt.s32.f32 v19;
	_ =	sdelay $0x1  }
0x21d: {  	[tilespmem:v25+s8+$0x0] =	vst.idx.msk $0xffff, v19;
	v23 =	vadd.s32 v6, v18;
	v6 =	vld [tilespmem:$0x1FF30]  }
0x21e: {  	v19 =	vld [tilespmem:s13+$0x40];
	_ =	sdelay $0x3  }
0x21f: {  	v24 =	vadd.s32 v6, v18;
	v6 =	vld [tilespmem:$0x1FF60]  }
0x220: {  	v25 =	vshrl.u32 v19, $0x5  }
0x221: {  	v25 =	vand.u32 $0x1, v25  }
0x222: {  	v25 =	vcvt.s32.f32 v25  }
0x223: {  	v26 =	vshrl.u32 v19, $0x4  }
0x224: {  	v27 =	vshrl.u32 v19, $0x3;
	v26 =	vand.u32 $0x1, v26;
	[tilespmem:v22+s8+$0x0] =	vst.idx.msk $0xffff, v25;
	v25 =	vadd.s32 v6, v18;
	v6 =	vld [tilespmem:$0x1FDE0]  }
0x225: {  	v28 =	vshrl.u32 v19, $0x2;
	v27 =	vand.u32 $0x1, v27;
	v26 =	vcvt.s32.f32 v26  }
0x226: {  	v28 =	vand.u32 $0x1, v28;
	v22 =	vcvt.s32.f32 v27  }
0x227: {  	v27 =	vcvt.s32.f32 v28;
	[tilespmem:v23+s8+$0x0] =	vst.idx.msk $0xffff, v26  }
0x228: {  	[tilespmem:v24+s8+$0x0] =	vst.idx.msk $0xffff, v22  }
0x229: {  	[tilespmem:v20+s8+$0x0] =	vst.idx.msk $0xffff, v27;
	v20 =	vadd.s32 v6, v18;
	v6 =	vld [tilespmem:$0x1FDF0]  }
0x22a: {  	v29 =	vshrl.u32 v19, $0x1  }
0x22b: {  	v29 =	vand.u32 $0x1, v29  }
0x22c: {  	v26 =	vcvt.s32.f32 v29;
	_ =	sdelay $0x1  }
0x22d: {  	[tilespmem:v21+s8+$0x0] =	vst.idx.msk $0xffff, v26;
	v21 =	vadd.s32 v6, v18;
	v6 =	vld [tilespmem:$0x1FE00];
	_ =	sdelay $0x4  }
0x22e: {  	v22 =	vadd.s32 v6, v18;
	v6 =	vld [tilespmem:$0x1FE10];
	_ =	sdelay $0x1  }
0x22f: {  	v19 =	vand.u32 $0x1, v19  }
0x230: {  	v19 =	vcvt.s32.f32 v19;
	_ =	sdelay $0x1  }
0x231: {  	[tilespmem:v25+s8+$0x0] =	vst.idx.msk $0xffff, v19;
	v23 =	vadd.s32 v6, v18;
	v6 =	vld [tilespmem:$0x1FE20]  }
0x232: {  	v19 =	vld [tilespmem:s13+$0x50];
	_ =	sdelay $0x3  }
0x233: {  	v24 =	vadd.s32 v6, v18;
	v6 =	vld [tilespmem:$0x1FE30]  }
0x234: {  	v25 =	vshrl.u32 v19, $0x5  }
0x235: {  	v25 =	vand.u32 $0x1, v25  }
0x236: {  	v25 =	vcvt.s32.f32 v25  }
0x237: {  	v26 =	vshrl.u32 v19, $0x4  }
0x238: {  	v27 =	vshrl.u32 v19, $0x3;
	v26 =	vand.u32 $0x1, v26;
	[tilespmem:v22+s8+$0x0] =	vst.idx.msk $0xffff, v25;
	v25 =	vadd.s32 v6, v18;
	v6 =	vld [tilespmem:$0x1FE40]  }
0x239: {  	v28 =	vshrl.u32 v19, $0x2;
	v27 =	vand.u32 $0x1, v27;
	v26 =	vcvt.s32.f32 v26  }
0x23a: {  	v28 =	vand.u32 $0x1, v28;
	v22 =	vcvt.s32.f32 v27  }
0x23b: {  	v27 =	vcvt.s32.f32 v28;
	[tilespmem:v23+s8+$0x0] =	vst.idx.msk $0xffff, v26  }
0x23c: {  	[tilespmem:v24+s8+$0x0] =	vst.idx.msk $0xffff, v22  }
0x23d: {  	[tilespmem:v20+s8+$0x0] =	vst.idx.msk $0xffff, v27;
	v20 =	vadd.s32 v6, v18;
	v6 =	vld [tilespmem:$0x1FE60]  }
0x23e: {  	v29 =	vshrl.u32 v19, $0x1  }
0x23f: {  	v29 =	vand.u32 $0x1, v29  }
0x240: {  	v24 =	vcvt.s32.f32 v29;
	_ =	sdelay $0x1  }
0x241: {  	[tilespmem:v21+s8+$0x0] =	vst.idx.msk $0xffff, v24;
	v21 =	vadd.s32 v6, v18;
	v6 =	vld [tilespmem:$0x1FE50];
	_ =	sdelay $0x4  }
0x242: {  	v19 =	vand.u32 $0x1, v19;
	v22 =	vadd.s32 v6, v18;
	v6 =	vld [tilespmem:$0x1FE70]  }
0x243: {  	v19 =	vcvt.s32.f32 v19;
	_ =	sdelay $0x1  }
0x244: {  	[tilespmem:v25+s8+$0x0] =	vst.idx.msk $0xffff, v19  }
0x245: {  	v19 =	vld [tilespmem:s13+$0x60]  }
0x246: {  	v23 =	vadd.s32 v6, v18;
	v6 =	vld [tilespmem:$0x1FE80];
	_ =	sdelay $0x3  }
0x247: {  	v25 =	vshrl.u32 v19, $0x5  }
0x248: {  	v26 =	vshrl.u32 v19, $0x4;
	v25 =	vand.u32 $0x1, v25;
	v24 =	vadd.s32 v6, v18  }
0x249: {  	v27 =	vshrl.u32 v19, $0x3;
	v26 =	vand.u32 $0x1, v26;
	v25 =	vcvt.s32.f32 v25  }
0x24a: {  	p0 =	sne.s32 s16, $0x3F;
	v28 =	vshrl.u32 v19, $0x2;
	v27 =	vand.u32 $0x1, v27;
	v26 =	vcvt.s32.f32 v26;
	v6 =	vld [tilespmem:$0x1FE90]  }
.Ltmp0:
0x24b: {  	v29 =	vshrl.u32 v19, $0x1;
	v28 =	vand.u32 $0x1, v28;
	[tilespmem:v22+s8+$0x0] =	vst.idx.msk $0xff, v25;
	v25 =	vcvt.s32.f32 v27;
	(pc) =	sbr.rel @p0 .LBB2_3-.Ltmp0, $4  }
0x24c: {  	v29 =	vand.u32 $0x1, v29;
	[tilespmem:v23+s8+$0x0] =	vst.idx.msk $0xff, v26;
	v26 =	vcvt.s32.f32 v28  }
0x24d: {  	v27 =	vcvt.s32.f32 v29;
	[tilespmem:v24+s8+$0x0] =	vst.idx.msk $0xff, v25  }
0x24e: {  	s15 =	sadd.s32 $0x1, s16;
	v31 =	vmovc v35;
	v35 =	vmovc v39;
	v39 =	vmov v43;
	v43 =	vmov v52;
	v19 =	vand.u32 $0x1, v19;
	[tilespmem:v20+s8+$0x0] =	vst.idx.msk $0xff, v26  }
0x24f: {  	s14 =	smov.u32 s16;
	s16 =	smov.u32 s15;
	v52 =	vmovc v4;
	v4 =	vmov v7;
	v19 =	vcvt.s32.f32 v19;
	v18 =	vadd.s32 v6, v18;
	[tilespmem:v21+s8+$0x0] =	vst.idx.msk $0xff, v27  }
0x250: {  	_ =	sdelay $0x3  }
0x251: {  	v20 =	vmov s14;
	s13 =	sadd.s32 $0xC8, s13;
	[tilespmem:v18+s8+$0x0] =	vst.idx.msk $0xff, v19  }
0x252: {  	v18 =	vshrl.u32 v20, $0x3;
	v19 =	vld [tilespmem:s13+$0xFFFFFFA0]  }
0x253: {  	v20 =	vshll.u32 v20, $0x7;
	v18 =	vmul.u32 $0x2800, v18  }
0x254: {  	v20 =	vand.u32 $0x380, v20  }
0x255: {  	v18 =	vor.u32 v20, v18  }
0x256: {  	v20 =	vor.u32 v31, v18;
	v21 =	vor.u32 v35, v18;
	v22 =	vor.u32 v36, v18  }
0x257: {  	v25 =	vor.u32 v32, v18;
	v26 =	vor.u32 v33, v18;
	v23 =	vshrl.u32 v19, $0x5  }
0x258: {  	v28 =	vor.u32 v34, v18;
	v24 =	vshrl.u32 v19, $0x4;
	v23 =	vand.u32 $0x1, v23  }
0x259: {  	v27 =	vshrl.u32 v19, $0x3;
	v24 =	vand.u32 $0x1, v24;
	v23 =	vcvt.s32.f32 v23  }
0x25a: {  	v29 =	vshrl.u32 v19, $0x2;
	v27 =	vand.u32 $0x1, v27;
	v24 =	vcvt.s32.f32 v24  }
0x25b: {  	[tilespmem:v20+s8+$0x0] =	vst.idx.msk $0xffff, v23;
	v20 =	vcvt.s32.f32 v27;
	v23 =	vand.u32 $0x1, v29;
	v27 =	vshrl.u32 v19, $0x1  }
0x25c: {  	[tilespmem:v25+s8+$0x0] =	vst.idx.msk $0xffff, v24;
	v23 =	vcvt.s32.f32 v23;
	v24 =	vand.u32 $0x1, v27  }
0x25d: {  	v19 =	vand.u32 $0x1, v19;
	[tilespmem:v26+s8+$0x0] =	vst.idx.msk $0xffff, v20;
	v20 =	vcvt.s32.f32 v24  }
0x25e: {  	v19 =	vcvt.s32.f32 v19;
	[tilespmem:v28+s8+$0x0] =	vst.idx.msk $0xffff, v23  }
0x25f: {  	[tilespmem:v21+s8+$0x0] =	vst.idx.msk $0xffff, v20  }
0x260: {  	[tilespmem:v22+s8+$0x0] =	vst.idx.msk $0xffff, v19  }
0x261: {  	v19 =	vld [tilespmem:s13+$0xFFFFFFB0];
	_ =	sdelay $0x3  }
0x262: {  	v24 =	vor.u32 v39, v18;
	v23 =	vor.u32 v38, v18;
	v22 =	vor.u32 v37, v18  }
0x263: {  	v20 =	vor.u32 v40, v18;
	v21 =	vor.u32 v41, v18;
	v25 =	vshrl.u32 v19, $0x5  }
0x264: {  	v26 =	vshrl.u32 v19, $0x4;
	v27 =	vshrl.u32 v19, $0x3;
	v25 =	vand.u32 $0x1, v25  }
0x265: {  	v28 =	vshrl.u32 v19, $0x2;
	v26 =	vand.u32 $0x1, v26;
	v25 =	vcvt.s32.f32 v25  }
0x266: {  	v29 =	vshrl.u32 v19, $0x1;
	v27 =	vand.u32 $0x1, v27;
	v26 =	vcvt.s32.f32 v26  }
0x267: {  	v28 =	vand.u32 $0x1, v28;
	[tilespmem:v22+s8+$0x0] =	vst.idx.msk $0xffff, v25;
	v22 =	vcvt.s32.f32 v27;
	v25 =	vor.u32 v11, v18  }
0x268: {  	v27 =	vand.u32 $0x1, v29;
	[tilespmem:v23+s8+$0x0] =	vst.idx.msk $0xffff, v26;
	v23 =	vcvt.s32.f32 v28  }
0x269: {  	v19 =	vand.u32 $0x1, v19;
	[tilespmem:v24+s8+$0x0] =	vst.idx.msk $0xffff, v22;
	v22 =	vcvt.s32.f32 v27  }
0x26a: {  	v19 =	vcvt.s32.f32 v19;
	[tilespmem:v20+s8+$0x0] =	vst.idx.msk $0xffff, v23  }
0x26b: {  	[tilespmem:v21+s8+$0x0] =	vst.idx.msk $0xffff, v22  }
0x26c: {  	[tilespmem:v25+s8+$0x0] =	vst.idx.msk $0xffff, v19  }
0x26d: {  	v19 =	vld [tilespmem:s13+$0xFFFFFFC0];
	_ =	sdelay $0x2  }
0x26e: {  	v20 =	vadd.s32 v42, v18;
	v21 =	vadd.s32 v43, v18  }
0x26f: {  	v22 =	vor.u32 v50, v20;
	v24 =	vor.u32 v47, v20;
	v23 =	vor.u32 v51, v21  }
0x270: {  	v25 =	vor.u32 v48, v20;
	v20 =	vor.u32 v49, v20;
	v26 =	vshrl.u32 v19, $0x5  }
0x271: {  	v21 =	vor.u32 v53, v21;
	v27 =	vshrl.u32 v19, $0x4;
	v26 =	vand.u32 $0x1, v26  }
0x272: {  	v28 =	vshrl.u32 v19, $0x3;
	v27 =	vand.u32 $0x1, v27;
	v26 =	vcvt.s32.f32 v26  }
0x273: {  	v29 =	vshrl.u32 v19, $0x2;
	v28 =	vand.u32 $0x1, v28;
	v27 =	vcvt.s32.f32 v27  }
0x274: {  	v30 =	vshrl.u32 v19, $0x1;
	v29 =	vand.u32 $0x1, v29;
	[tilespmem:v24+s8+$0x0] =	vst.idx.msk $0xffff, v26;
	v24 =	vcvt.s32.f32 v28  }
0x275: {  	v26 =	vand.u32 $0x1, v30;
	[tilespmem:v25+s8+$0x0] =	vst.idx.msk $0xffff, v27;
	v25 =	vcvt.s32.f32 v29  }
0x276: {  	v19 =	vand.u32 $0x1, v19;
	[tilespmem:v20+s8+$0x0] =	vst.idx.msk $0xffff, v24;
	v20 =	vcvt.s32.f32 v26  }
0x277: {  	v19 =	vcvt.s32.f32 v19;
	[tilespmem:v22+s8+$0x0] =	vst.idx.msk $0xffff, v25  }
0x278: {  	[tilespmem:v23+s8+$0x0] =	vst.idx.msk $0xffff, v20  }
0x279: {  	[tilespmem:v21+s8+$0x0] =	vst.idx.msk $0xffff, v19  }
0x27a: {  	v19 =	vld [tilespmem:s13+$0xFFFFFFD0];
	_ =	sdelay $0x2  }
0x27b: {  	v20 =	vadd.s32 $0x800, v18  }
0x27c: {  	v21 =	vor.u32 v56, v20;
	v22 =	vor.u32 v57, v20;
	v23 =	vor.u32 v45, v20  }
0x27d: {  	v24 =	vor.u32 v54, v20;
	v25 =	vor.u32 v55, v20;
	v26 =	vshrl.u32 v19, $0x5  }
0x27e: {  	v20 =	vor.u32 v58, v20;
	v27 =	vshrl.u32 v19, $0x4;
	v26 =	vand.u32 $0x1, v26  }
0x27f: {  	v28 =	vshrl.u32 v19, $0x3;
	v27 =	vand.u32 $0x1, v27;
	v26 =	vcvt.s32.f32 v26  }
0x280: {  	v29 =	vshrl.u32 v19, $0x2;
	v28 =	vand.u32 $0x1, v28;
	v27 =	vcvt.s32.f32 v27  }
0x281: {  	v30 =	vshrl.u32 v19, $0x1;
	v29 =	vand.u32 $0x1, v29;
	[tilespmem:v23+s8+$0x0] =	vst.idx.msk $0xffff, v26;
	v23 =	vcvt.s32.f32 v28  }
0x282: {  	v26 =	vand.u32 $0x1, v30;
	[tilespmem:v24+s8+$0x0] =	vst.idx.msk $0xffff, v27;
	v24 =	vcvt.s32.f32 v29  }
0x283: {  	v19 =	vand.u32 $0x1, v19;
	[tilespmem:v25+s8+$0x0] =	vst.idx.msk $0xffff, v23;
	v23 =	vcvt.s32.f32 v26  }
0x284: {  	v19 =	vcvt.s32.f32 v19;
	[tilespmem:v21+s8+$0x0] =	vst.idx.msk $0xffff, v24  }
0x285: {  	[tilespmem:v22+s8+$0x0] =	vst.idx.msk $0xffff, v23  }
0x286: {  	[tilespmem:v20+s8+$0x0] =	vst.idx.msk $0xffff, v19  }
0x287: {  	v19 =	vld [tilespmem:s13+$0xFFFFFFE0];
	_ =	sdelay $0x3  }
0x288: {  	v21 =	vadd.s32 v62, v18;
	v24 =	vadd.s32 v60, v18;
	v22 =	vadd.s32 v44, v18  }
0x289: {  	v23 =	vadd.s32 v59, v18;
	v20 =	vadd.s32 v61, v18;
	v25 =	vshrl.u32 v19, $0x5  }
0x28a: {  	v26 =	vshrl.u32 v19, $0x4;
	v27 =	vshrl.u32 v19, $0x3;
	v25 =	vand.u32 $0x1, v25  }
0x28b: {  	v28 =	vshrl.u32 v19, $0x2;
	v26 =	vand.u32 $0x1, v26;
	v25 =	vcvt.s32.f32 v25  }
0x28c: {  	v29 =	vshrl.u32 v19, $0x1;
	v27 =	vand.u32 $0x1, v27;
	v26 =	vcvt.s32.f32 v26  }
0x28d: {  	v6 =	vld [tilespmem:$0x1FFC0];
	v28 =	vand.u32 $0x1, v28;
	[tilespmem:v22+s8+$0x0] =	vst.idx.msk $0xffff, v25;
	v22 =	vcvt.s32.f32 v27;
	v25 =	vadd.s32 v63, v18  }
0x28e: {  	v27 =	vand.u32 $0x1, v29;
	[tilespmem:v23+s8+$0x0] =	vst.idx.msk $0xffff, v26;
	v23 =	vcvt.s32.f32 v28  }
0x28f: {  	v19 =	vand.u32 $0x1, v19;
	[tilespmem:v24+s8+$0x0] =	vst.idx.msk $0xffff, v22;
	v22 =	vcvt.s32.f32 v27  }
0x290: {  	v19 =	vcvt.s32.f32 v19;
	[tilespmem:v20+s8+$0x0] =	vst.idx.msk $0xffff, v23  }
0x291: {  	[tilespmem:v21+s8+$0x0] =	vst.idx.msk $0xffff, v22;
	v21 =	vadd.s32 v3, v18  }
0x292: {  	[tilespmem:v25+s8+$0x0] =	vst.idx.msk $0xffff, v19;
	v22 =	vor.u32 v6, v21;
	v6 =	vld [tilespmem:$0x1FFE0]  }
0x293: {  	v19 =	vld [tilespmem:s13+$0xFFFFFFF0];
	_ =	sdelay $0x2  }
0x294: {  	v20 =	vadd.s32 v52, v18  }
0x295: {  	v24 =	vor.u32 v1, v20;
	v23 =	vor.u32 v6, v21;
	v6 =	vld [tilespmem:$0x1FFD0]  }
0x296: {  	v20 =	vor.u32 v2, v20;
	v25 =	vor.u32 v4, v21;
	v26 =	vshrl.u32 v19, $0x5  }
0x297: {  	v27 =	vshrl.u32 v19, $0x4;
	v28 =	vshrl.u32 v19, $0x3;
	v26 =	vand.u32 $0x1, v26  }
0x298: {  	v29 =	vshrl.u32 v19, $0x2;
	v27 =	vand.u32 $0x1, v27;
	v26 =	vcvt.s32.f32 v26  }
0x299: {  	v30 =	vshrl.u32 v19, $0x1;
	v28 =	vand.u32 $0x1, v28;
	v27 =	vcvt.s32.f32 v27  }
0x29a: {  	[tilespmem:v24+s8+$0x0] =	vst.idx.msk $0xffff, v26;
	v24 =	vand.u32 $0x1, v29;
	v26 =	vcvt.s32.f32 v28;
	v21 =	vor.u32 v6, v21  }
0x29b: {  	v28 =	vand.u32 $0x1, v30;
	[tilespmem:v20+s8+$0x0] =	vst.idx.msk $0xffff, v27;
	v20 =	vcvt.s32.f32 v24  }
0x29c: {  	v19 =	vand.u32 $0x1, v19;
	v24 =	vcvt.s32.f32 v28;
	[tilespmem:v25+s8+$0x0] =	vst.idx.msk $0xffff, v26  }
0x29d: {  	v19 =	vcvt.s32.f32 v19;
	[tilespmem:v22+s8+$0x0] =	vst.idx.msk $0xffff, v20  }
0x29e: {  	[tilespmem:v23+s8+$0x0] =	vst.idx.msk $0xffff, v24  }
0x29f: {  	[tilespmem:v21+s8+$0x0] =	vst.idx.msk $0xffff, v19  }
0x2a0: {  	v19 =	vld [tilespmem:s13+$0x0];
	_ =	sdelay $0x3  }
0x2a1: {  	v20 =	vadd.s32 v12, v18;
	v22 =	vadd.s32 v15, v18;
	v23 =	vadd.s32 v13, v18  }
0x2a2: {  	v24 =	vadd.s32 v8, v18;
	v21 =	vadd.s32 v9, v18;
	v25 =	vshrl.u32 v19, $0x5  }
0x2a3: {  	v26 =	vshrl.u32 v19, $0x4;
	v27 =	vshrl.u32 v19, $0x3;
	v25 =	vand.u32 $0x1, v25  }
0x2a4: {  	v28 =	vshrl.u32 v19, $0x2;
	v26 =	vand.u32 $0x1, v26;
	v25 =	vcvt.s32.f32 v25  }
0x2a5: {  	v29 =	vshrl.u32 v19, $0x1;
	v27 =	vand.u32 $0x1, v27;
	v26 =	vcvt.s32.f32 v26  }
0x2a6: {  	v28 =	vand.u32 $0x1, v28;
	[tilespmem:v22+s8+$0x0] =	vst.idx.msk $0xffff, v25;
	v22 =	vcvt.s32.f32 v27;
	v25 =	vadd.s32 v10, v18  }
0x2a7: {  	v27 =	vand.u32 $0x1, v29;
	[tilespmem:v23+s8+$0x0] =	vst.idx.msk $0xffff, v26;
	v23 =	vcvt.s32.f32 v28  }
0x2a8: {  	v19 =	vand.u32 $0x1, v19;
	[tilespmem:v24+s8+$0x0] =	vst.idx.msk $0xffff, v22;
	v22 =	vcvt.s32.f32 v27  }
0x2a9: {  	v19 =	vcvt.s32.f32 v19;
	[tilespmem:v20+s8+$0x0] =	vst.idx.msk $0xffff, v23  }
0x2aa: {  	[tilespmem:v21+s8+$0x0] =	vst.idx.msk $0xffff, v22  }
0x2ab: {  	[tilespmem:v25+s8+$0x0] =	vst.idx.msk $0xffff, v19  }
0x2ac: {  	v19 =	vld [tilespmem:s13+$0x10];
	_ =	sdelay $0x3  }
0x2ad: {  	v22 =	vadd.s32 v46, v18  }
0x2ae: {  	v24 =	vadd.s32 v17, v18;
	v23 =	vadd.s32 v14, v18;
	v25 =	vshrl.u32 v19, $0x5  }
0x2af: {  	v20 =	vadd.s32 v16, v18;
	v26 =	vshrl.u32 v19, $0x4;
	v25 =	vand.u32 $0x1, v25  }
0x2b0: {  	v27 =	vshrl.u32 v19, $0x3;
	v26 =	vand.u32 $0x1, v26;
	v25 =	vcvt.s32.f32 v25  }
0x2b1: {  	v28 =	vshrl.u32 v19, $0x2;
	v27 =	vand.u32 $0x1, v27;
	v26 =	vcvt.s32.f32 v26  }
0x2b2: {  	v29 =	vshrl.u32 v19, $0x1;
	[tilespmem:v22+s8+$0x0] =	vst.idx.msk $0xffff, v25;
	v22 =	vand.u32 $0x1, v28;
	v25 =	vcvt.s32.f32 v27  }
0x2b3: {  	[tilespmem:v23+s8+$0x0] =	vst.idx.msk $0xffff, v26;
	v22 =	vcvt.s32.f32 v22  }
0x2b4: {  	v30 =	vmov v16;
	v16 =	vld [tilespmem:$0x1FFB0];
	[tilespmem:v24+s8+$0x0] =	vst.idx.msk $0xffff, v25  }
0x2b5: {  	v28 =	vand.u32 $0x1, v29;
	v29 =	vmov v0;
	[tilespmem:v20+s8+$0x0] =	vst.idx.msk $0xffff, v22;
	v20 =	vadd.s32 v0, v18;
	v0 =	vld [tilespmem:$0x1FDC0]  }
0x2b6: {  	v6 =	vld [tilespmem:$0x1FEA0];
	_ =	sdelay $0x3  }
0x2b7: {  	v21 =	vadd.s32 v16, v18;
	v7 =	vadd.s32 v0, v18;
	v0 =	vld [tilespmem:$0x1FF80]  }
0x2b8: {  	v27 =	vadd.s32 v6, v18;
	_ =	sdelay $0x1  }
0x2b9: {  	v19 =	vand.u32 $0x1, v19;
	v23 =	vcvt.s32.f32 v28  }
0x2ba: {  	v19 =	vcvt.s32.f32 v19  }
0x2bb: {  	s12 =	sadd.s32 $0xC8, s12;
	[tilespmem:v21+s8+$0x0] =	vst.idx.msk $0xffff, v23;
	v22 =	vadd.s32 v0, v18;
	v0 =	vld [tilespmem:$0x1FF90]  }
0x2bc: {  	s12 =	sand.u32 $0x3FF8, s12;
	[tilespmem:v27+s8+$0x0] =	vst.idx.msk $0xffff, v19  }
0x2bd: {  	v19 =	vld [tilespmem:s12+$0x80];
	_ =	sdelay $0x2  }
0x2be: {  	v23 =	vadd.s32 v0, v18;
	v0 =	vld [tilespmem:$0x1FDD0]  }
0x2bf: {  	v21 =	vadd.s32 v5, v18  }
0x2c0: {  	v24 =	vshrl.u32 v19, $0x5  }
0x2c1: {  	v25 =	vshrl.u32 v19, $0x4;
	v26 =	vshrl.u32 v19, $0x3;
	v24 =	vand.u32 $0x1, v24  }
0x2c2: {  	v27 =	vshrl.u32 v19, $0x2;
	v25 =	vand.u32 $0x1, v25;
	v24 =	vcvt.s32.f32 v24  }
0x2c3: {  	v26 =	vand.u32 $0x1, v26;
	v25 =	vcvt.s32.f32 v25;
	v5 =	vadd.s32 v0, v18;
	v0 =	vld [tilespmem:$0x1FEE0]  }
0x2c4: {  	v28 =	vshrl.u32 v19, $0x1;
	[tilespmem:v21+s8+$0x0] =	vst.idx.msk $0xffff, v24;
	v21 =	vand.u32 $0x1, v27;
	v24 =	vcvt.s32.f32 v26  }
0x2c5: {  	v26 =	vand.u32 $0x1, v28;
	v21 =	vcvt.s32.f32 v21;
	[tilespmem:v22+s8+$0x0] =	vst.idx.msk $0xffff, v25  }
0x2c6: {  	v22 =	vcvt.s32.f32 v26;
	[tilespmem:v23+s8+$0x0] =	vst.idx.msk $0xffff, v24  }
0x2c7: {  	[tilespmem:v20+s8+$0x0] =	vst.idx.msk $0xffff, v21  }
0x2c8: {  	[tilespmem:v7+s8+$0x0] =	vst.idx.msk $0xffff, v22;
	v7 =	vadd.s32 v0, v18;
	v0 =	vld [tilespmem:$0x1FEF0];
	_ =	sdelay $0x1  }
0x2c9: {  	v19 =	vand.u32 $0x1, v19  }
0x2ca: {  	v19 =	vcvt.s32.f32 v19;
	_ =	sdelay $0x1  }
0x2cb: {  	[tilespmem:v5+s8+$0x0] =	vst.idx.msk $0xffff, v19;
	v19 =	vadd.s32 v0, v18;
	v0 =	vld [tilespmem:$0x1FEB0];
	_ =	sdelay $0x4  }
0x2cc: {  	v20 =	vadd.s32 v0, v18;
	v0 =	vld [tilespmem:$0x1FEC0];
	_ =	sdelay $0x4  }
0x2cd: {  	v21 =	vadd.s32 v0, v18;
	v0 =	vld [tilespmem:$0x1FED0]  }
0x2ce: {  	v5 =	vld [tilespmem:s13+$0x30];
	_ =	sdelay $0x3  }
0x2cf: {  	v22 =	vadd.s32 v0, v18;
	v0 =	vld [tilespmem:$0x1FF00]  }
0x2d0: {  	v23 =	vshrl.u32 v5, $0x5  }
0x2d1: {  	v23 =	vand.u32 $0x1, v23  }
0x2d2: {  	v23 =	vcvt.s32.f32 v23  }
0x2d3: {  	v24 =	vshrl.u32 v5, $0x4  }
0x2d4: {  	v25 =	vshrl.u32 v5, $0x3;
	v24 =	vand.u32 $0x1, v24;
	[tilespmem:v20+s8+$0x0] =	vst.idx.msk $0xffff, v23;
	v23 =	vadd.s32 v0, v18;
	v0 =	vld [tilespmem:$0x1FF40]  }
0x2d5: {  	v26 =	vshrl.u32 v5, $0x2;
	v25 =	vand.u32 $0x1, v25;
	v24 =	vcvt.s32.f32 v24  }
0x2d6: {  	v26 =	vand.u32 $0x1, v26;
	v20 =	vcvt.s32.f32 v25  }
0x2d7: {  	[tilespmem:v21+s8+$0x0] =	vst.idx.msk $0xffff, v24;
	v21 =	vcvt.s32.f32 v26  }
0x2d8: {  	[tilespmem:v22+s8+$0x0] =	vst.idx.msk $0xffff, v20  }
0x2d9: {  	[tilespmem:v7+s8+$0x0] =	vst.idx.msk $0xffff, v21;
	v7 =	vadd.s32 v0, v18;
	v0 =	vld [tilespmem:$0x1FF50]  }
0x2da: {  	v27 =	vshrl.u32 v5, $0x1  }
0x2db: {  	v25 =	vand.u32 $0x1, v27  }
0x2dc: {  	v20 =	vcvt.s32.f32 v25;
	_ =	sdelay $0x1  }
0x2dd: {  	[tilespmem:v19+s8+$0x0] =	vst.idx.msk $0xffff, v20;
	v19 =	vadd.s32 v0, v18;
	v0 =	vld [tilespmem:$0x1FF10];
	_ =	sdelay $0x4  }
0x2de: {  	v20 =	vadd.s32 v0, v18;
	v0 =	vld [tilespmem:$0x1FF20];
	_ =	sdelay $0x1  }
0x2df: {  	v5 =	vand.u32 $0x1, v5  }
0x2e0: {  	v5 =	vcvt.s32.f32 v5;
	_ =	sdelay $0x1  }
0x2e1: {  	[tilespmem:v23+s8+$0x0] =	vst.idx.msk $0xffff, v5;
	v21 =	vadd.s32 v0, v18;
	v0 =	vld [tilespmem:$0x1FF30]  }
0x2e2: {  	v5 =	vld [tilespmem:s13+$0x40];
	_ =	sdelay $0x3  }
0x2e3: {  	v22 =	vadd.s32 v0, v18;
	v0 =	vld [tilespmem:$0x1FF60]  }
0x2e4: {  	v23 =	vshrl.u32 v5, $0x5  }
0x2e5: {  	v23 =	vand.u32 $0x1, v23  }
0x2e6: {  	v25 =	vshrl.u32 v5, $0x3;
	v23 =	vcvt.s32.f32 v23  }
0x2e7: {  	v24 =	vshrl.u32 v5, $0x4;
	v25 =	vand.u32 $0x1, v25  }
0x2e8: {  	v24 =	vand.u32 $0x1, v24;
	[tilespmem:v20+s8+$0x0] =	vst.idx.msk $0xffff, v23;
	v23 =	vcvt.s32.f32 v25;
	v25 =	vadd.s32 v0, v18;
	v0 =	vld [tilespmem:$0x1FDE0]  }
0x2e9: {  	v26 =	vshrl.u32 v5, $0x2;
	v24 =	vcvt.s32.f32 v24  }
0x2ea: {  	v20 =	vand.u32 $0x1, v26  }
0x2eb: {  	v20 =	vcvt.s32.f32 v20;
	[tilespmem:v21+s8+$0x0] =	vst.idx.msk $0xffff, v24  }
0x2ec: {  	[tilespmem:v22+s8+$0x0] =	vst.idx.msk $0xffff, v23  }
0x2ed: {  	v27 =	vshrl.u32 v5, $0x1;
	[tilespmem:v7+s8+$0x0] =	vst.idx.msk $0xffff, v20;
	v7 =	vadd.s32 v0, v18;
	v0 =	vld [tilespmem:$0x1FDF0]  }
0x2ee: {  	v21 =	vand.u32 $0x1, v27  }
0x2ef: {  	v5 =	vand.u32 $0x1, v5;
	v21 =	vcvt.s32.f32 v21  }
0x2f0: {  	v5 =	vcvt.s32.f32 v5  }
0x2f1: {  	[tilespmem:v19+s8+$0x0] =	vst.idx.msk $0xffff, v21  }
0x2f2: {  	[tilespmem:v25+s8+$0x0] =	vst.idx.msk $0xffff, v5;
	v24 =	vadd.s32 v0, v18;
	v0 =	vld [tilespmem:$0x1FE00]  }
0x2f3: {  	v5 =	vld [tilespmem:s13+$0x50]  }
0x2f4: {  	v6 =	vld [tilespmem:$0x1FE10];
	_ =	sdelay $0x2  }
0x2f5: {  	v0 =	vadd.s32 v0, v18  }
0x2f6: {  	v21 =	vshrl.u32 v5, $0x5  }
0x2f7: {  	v23 =	vadd.s32 v6, v18;
	v6 =	vld [tilespmem:$0x1FE20];
	v21 =	vand.u32 $0x1, v21  }
0x2f8: {  	v25 =	vcvt.s32.f32 v21;
	_ =	sdelay $0x1  }
0x2f9: {  	[tilespmem:v0+s8+$0x0] =	vst.idx.msk $0xffff, v25;
	v0 =	vld [tilespmem:$0x1FE30];
	_ =	sdelay $0x1  }
0x2fa: {  	v11 =	vmov v17;
	v17 =	vld [tilespmem:$0x1FE70];
	v6 =	vadd.s32 v6, v18;
	v19 =	vshrl.u32 v5, $0x4  }
0x2fb: {  	v20 =	vshrl.u32 v5, $0x3;
	v22 =	vshrl.u32 v5, $0x1;
	v19 =	vand.u32 $0x1, v19  }
0x2fc: {  	v20 =	vand.u32 $0x1, v20;
	v21 =	vshrl.u32 v5, $0x2;
	v19 =	vcvt.s32.f32 v19  }
0x2fd: {  	v21 =	vand.u32 $0x1, v21;
	v25 =	vcvt.s32.f32 v20;
	v0 =	vadd.s32 v0, v18  }
0x2fe: {  	v20 =	vcvt.s32.f32 v21;
	[tilespmem:v23+s8+$0x0] =	vst.idx.msk $0xffff, v19;
	v19 =	vand.u32 $0x1, v22  }
0x2ff: {  	v5 =	vand.u32 $0x1, v5;
	v23 =	vadd.s32 v17, v18;
	v17 =	vld [tilespmem:$0x1FE80];
	[tilespmem:v6+s8+$0x0] =	vst.idx.msk $0xffff, v25;
	v6 =	vcvt.s32.f32 v19  }
0x300: {  	v5 =	vcvt.s32.f32 v5;
	[tilespmem:v7+s8+$0x0] =	vst.idx.msk $0xffff, v20;
	v7 =	vld [tilespmem:$0x1FE50]  }
0x301: {  	[tilespmem:v24+s8+$0x0] =	vst.idx.msk $0xffff, v6;
	v6 =	vld [tilespmem:$0x1FE60]  }
0x302: {  	[tilespmem:v0+s8+$0x0] =	vst.idx.msk $0xffff, v5;
	v5 =	vld [tilespmem:$0x1FE40]  }
0x303: {  	v0 =	vld [tilespmem:s13+$0x60];
	_ =	sdelay $0x2  }
0x304: {  	v24 =	vadd.s32 v17, v18;
	v17 =	vld [tilespmem:$0x1FE90]  }
0x305: {  	v7 =	vadd.s32 v7, v18  }
0x306: {  	v6 =	vadd.s32 v6, v18;
	v5 =	vadd.s32 v5, v18;
	v20 =	vshrl.u32 v0, $0x5  }
0x307: {  	v21 =	vshrl.u32 v0, $0x4;
	v19 =	vshrl.u32 v0, $0x3;
	v22 =	vand.u32 $0x1, v20  }
0x308: {  	v20 =	vand.u32 $0x1, v21;
	v21 =	vand.u32 $0x1, v19;
	v19 =	vcvt.s32.f32 v22  }
0x309: {  	v22 =	vadd.s32 v17, v18;
	v18 =	vshrl.u32 v0, $0x2;
	v17 =	vcvt.s32.f32 v20  }
0x30a: {  	[tilespmem:v7+s8+$0x0] =	vst.idx.msk $0xff, v19;
	v7 =	vshrl.u32 v0, $0x1;
	v19 =	vand.u32 $0x1, v18;
	v18 =	vcvt.s32.f32 v21  }
0x30b: {  	[tilespmem:v23+s8+$0x0] =	vst.idx.msk $0xff, v17;
	v7 =	vand.u32 $0x1, v7;
	v17 =	vcvt.s32.f32 v19  }
0x30c: {  	s11 =	sshrl.u32 s11, $0x3;
	v0 =	vand.u32 $0x1, v0;
	[tilespmem:v24+s8+$0x0] =	vst.idx.msk $0xff, v18;
	v7 =	vcvt.s32.f32 v7  }
0x30d: {  	s11 =	smul.u32 $0x500, s11;
	v0 =	vcvt.s32.f32 v0;
	[tilespmem:v5+s8+$0x0] =	vst.idx.msk $0xff, v17  }
0x30e: {  	s10 =	sadd.s32 $0x1, s10;
	[tilespmem:v6+s8+$0x0] =	vst.idx.msk $0xff, v7  }
0x30f: {  	p0 =	sne.s32 s10, $0x8;
	s11 =	sadd.s32 s4, s11;
	[tilespmem:v22+s8+$0x0] =	vst.idx.msk $0xff, v0  }
0x310: {  	[hbm4b:s11+s2] =	stream.linear.scatter [tilespmem:s8], [sflag:$0x1], $0x14000, $0x38;
	[tilespmem:$0x17280] =	vst v63  }
.Ltmp1:
0x311: {  	_ =	swait.ge [sflag:s7], $0x14000;
	(pc) =	sbr.rel @p0 .LBB2_2-.Ltmp1, $4  }
0x312: {  	v18 =	vld [tilespmem:$0x1FFF0]  }
0x313: {  	v20 =	vld [tilespmem:$0x1FFC0]  }
0x314: {  	v28 =	vmov v14;
	v26 =	vmov v9;
	v27 =	vmov v10;
	[sflag:s7] =	ssyncset.done $0x0;
	v17 =	vld [tilespmem:$0x1FFE0]  }
0x315: {  	v25 =	vmovc v12;
	v21 =	vmovc v11;
	v23 =	vmov v15;
	v24 =	vmov v8;
	v22 =	vmov v30;
	v19 =	vld [tilespmem:$0x1FFD0];
	[sflag:s7] =	ssyncadd.s32 $0xFFFEC000  }
0x316: {  	s9 =	sadd.s32 $0x1, s9  }
0x317: {  	p0 =	sne.s32 s9, s6  }
.Ltmp2:
0x318: {  	_ = 	snop;
	(pc) =	sbr.rel @p0 .LBB2_1-.Ltmp2, $1  }
0x319: {  	_ =	sdelay $0x3  }
0x31a: {  	_ =	sfence.sel $0x180000  }
0x31b: {  	[bflag:$0x0] =	sbarrier.arrive $0xFFFF  }
0x31c: {  	p0 =	sne.s32 s3, $0x0;
	_ =	strace $0x90000047  }
0x31d: {  	s0 =	sadd.s32 @!p0 $0x100000, s1;
	[bflag:$0x2] =	sbarrier.arrive $0xFFFF  }
0x31e: {  	[sflag:s0] =	ssyncadd.tile.s32 @!p0 $0x1;
	_ =	shalt  }
.Lfunc_end2:
_tile_overlayer_lowered:
.L_overlay_start_2:
0x31f: {  	(tag) =	ssettag $0x2  }
0x320: {  	s0 =	rddreg [dreg:$0x0];
	s2 =	stileid.u32  }
0x321: {  	s1 =	rddreg [dreg:$0x1];
	p0 =	sne.s32 s2, $0x0  }
0x322: {  	s3 =	rddreg [dreg:$0x2];
	[bflag:$0x3] =	sbarrier.arrive $0xFFFF;
	s2 =	simm.s32 @!p0 $0x1C01  }
0x323: {  	[timem:s3], [sflag:s2] =	dma.local @!p0 [hbm:s0], s1  }
0x324: {  	s0 =	simm.s32 @!p0 $0x1  }
0x325: {  	_ =	swait.ge @!p0 [sflag:s0], s1  }
0x326: {  	s1 =	ssub.s32 @!p0 $0x0, s1;
	[sflag:s0] =	ssyncset.done @!p0 $0x0  }
0x327: {  	[sflag:s0] =	ssyncadd.s32 @!p0 s1  }
0x328: {  	[bflag:$0x3] =	sbarrier.arrive $0xFFFF  }
0x329: {  	_ =	shalt  }

</sc_bundles>
